<compile_context>
chip_gen: v7x
topology: tpu7x:2x2x1
jax: 0.10.2.dev20260603
libtpu: 0.0.44.dev20260713+nightly
codegen_flags: <defaults>
</compile_context>

<pallas_src>
import jax
import jax.numpy as jnp
from jax import lax
from jax.experimental import pallas as pl
from jax.experimental.pallas import tpu as pltpu
from jax.experimental.pallas import tpu_sc as plsc

N = 10000
D = 128
E = 320000

NC = 2
NS = 16
NW = NC * NS
CH = 128
NCHUNK = 80
EPW = CH * NCHUNK
CHS = 64
NB = 4
NCHS = EPW // CHS
GRPS = 32
NGRPS = NCHS // GRPS
E_PAD = EPW * NW
N_PAD = 10240
RPT = N_PAD // NS

_MESH = dict(core_axis_name="c", subcore_axis_name="s",
             num_cores=NC, num_subcores=NS)


def _sc_scatter_body(src_hbm, dst_hbm, y_hbm, zero_hbm, out_hbm,
                     src_g, dst_g, r0, r1, r2, r3, acc, s0, s1, s2, s3):
    rows = (r0, r1, r2, r3)
    sems = (s0, s1, s2, s3)
    cid = lax.axis_index("c")
    sid = lax.axis_index("s")
    wid = cid * NS + sid

    pltpu.sync_copy(zero_hbm, acc.at[pl.ds(sid * RPT, RPT)])
    plsc.subcore_barrier()

    def group(g, carry):
        pltpu.sync_copy(src_hbm.at[wid, pl.ds(g * GRPS, GRPS)], src_g)
        pltpu.sync_copy(dst_hbm.at[wid, pl.ds(g * GRPS, GRPS)], dst_g)
        for b in range(NB):
            pltpu.async_copy(y_hbm.at[src_g.at[b]], rows[b], sems[b])

        def quad(q, c2):
            k = q * NB
            for b in range(NB):
                pltpu.make_async_copy(
                    y_hbm.at[pl.ds(0, CHS)], rows[b], sems[b]).wait()
                pltpu.sync_copy(rows[b], acc.at[dst_g.at[k + b]], add=True)
                pltpu.async_copy(
                    y_hbm.at[src_g.at[k + NB + b]], rows[b], sems[b])
            return c2

        lax.fori_loop(0, (GRPS - NB) // NB, quad, 0)
        for b in range(NB):
            pltpu.make_async_copy(
                y_hbm.at[pl.ds(0, CHS)], rows[b], sems[b]).wait()
            pltpu.sync_copy(rows[b], acc.at[dst_g.at[GRPS - NB + b]], add=True)
        return carry

    lax.fori_loop(0, NGRPS, group, 0)

    plsc.subcore_barrier()
    pltpu.sync_copy(acc.at[pl.ds(sid * RPT, RPT)],
                    out_hbm.at[cid, pl.ds(sid * RPT, RPT)])


def _sc_scatter(src3, dst3, y, zero_rows):
    return pl.kernel(
        _sc_scatter_body,
        out_type=jax.ShapeDtypeStruct((NC, N_PAD, D), jnp.float32),
        mesh=plsc.VectorSubcoreMesh(**_MESH),
        scratch_types=[
            pltpu.VMEM((GRPS, CHS), jnp.int32),
            pltpu.VMEM((GRPS, CHS), jnp.int32),
            pltpu.VMEM((CHS, D), jnp.float32),
            pltpu.VMEM((CHS, D), jnp.float32),
            pltpu.VMEM((CHS, D), jnp.float32),
            pltpu.VMEM((CHS, D), jnp.float32),
            pltpu.VMEM_SHARED((N_PAD, D), jnp.float32),
            pltpu.SemaphoreType.DMA,
            pltpu.SemaphoreType.DMA,
            pltpu.SemaphoreType.DMA,
            pltpu.SemaphoreType.DMA,
        ],
    )(src3, dst3, y, zero_rows)


NDEG = 10240
RPTD = NDEG // NS


def _sc_deg_body(dst_hbm, out_hbm, dst_all, hist, red, shared):
    cid = lax.axis_index("c")
    sid = lax.axis_index("s")
    wid = cid * NS + sid

    pltpu.sync_copy(dst_hbm.at[wid], dst_all)

    def zero16v(i, carry):
        hist[pl.ds(i * 16, 16)] = jnp.zeros((16,), jnp.float32)
        return carry

    lax.fori_loop(0, NDEG // 16, zero16v, 0)

    ones_v = jnp.ones((16,), jnp.float32)

    def chunk(ch, carry):
        for j in range(CH // 16):
            idx = dst_all[ch, pl.ds(j * 16, 16)]
            plsc.addupdate_scatter(hist, [idx], ones_v)
        return carry

    lax.fori_loop(0, NCHUNK, chunk, 0)

    pltpu.sync_copy(hist, shared.at[sid])
    plsc.subcore_barrier()
    pltpu.sync_copy(shared.at[:, pl.ds(sid * RPTD, RPTD)], red)

    def add_rows(r, carry):
        def addv(i, c2):
            red[0, pl.ds(i * 16, 16)] = (red[0, pl.ds(i * 16, 16)]
                                         + red[r, pl.ds(i * 16, 16)])
            return c2
        lax.fori_loop(0, RPTD // 16, addv, 0)
        return carry

    lax.fori_loop(1, NS, add_rows, 0)
    pltpu.sync_copy(red.at[0], out_hbm.at[cid, pl.ds(sid * RPTD, RPTD)])


def _sc_deg(dst3):
    return pl.kernel(
        _sc_deg_body,
        out_type=jax.ShapeDtypeStruct((NC, NDEG), jnp.float32),
        mesh=plsc.VectorSubcoreMesh(**_MESH),
        scratch_types=[
            pltpu.VMEM((NCHUNK, CH), jnp.int32),
            pltpu.VMEM((NDEG,), jnp.float32),
            pltpu.VMEM((NS, RPTD), jnp.float32),
            pltpu.VMEM_SHARED((NS, NDEG), jnp.float32),
        ],
        compiler_params=pltpu.CompilerParams(needs_layout_passes=False),
    )(dst3)



R = 2048
G = N_PAD // R


def _dis_col(degp_blk):
    deg_row = jnp.sum(degp_blk, axis=0, keepdims=True) + 1.0
    return lax.rsqrt(jnp.transpose(deg_row, (1, 0)))


def _tc_a1_body(x_ref, w_ref, degp_ref, y_ref):
    dis = _dis_col(degp_ref[...])
    xw = jnp.dot(x_ref[...], w_ref[...], preferred_element_type=jnp.float32)
    y_ref[...] = dis * xw


def _tc_a1(x, W1, degp):
    return pl.pallas_call(
        _tc_a1_body,
        grid=(G,),
        in_specs=[
            pl.BlockSpec((R, D), lambda i: (i, 0)),
            pl.BlockSpec((D, D), lambda i: (0, 0)),
            pl.BlockSpec((NC, R), lambda i: (0, i)),
        ],
        out_specs=pl.BlockSpec((R, D), lambda i: (i, 0)),
        out_shape=jax.ShapeDtypeStruct((N_PAD, D), jnp.float32),
    )(x, W1, degp)


def _tc_a2_body(aggp_ref, y_ref, degp_ref, b_ref, w_ref, out_ref):
    dis = _dis_col(degp_ref[...])
    s = aggp_ref[0] + aggp_ref[1] + y_ref[...]
    h = jnp.maximum(dis * s + b_ref[...], 0.0)
    out_ref[...] = dis * jnp.dot(
        h, w_ref[...], preferred_element_type=jnp.float32)


def _tc_a2(aggp, y1, degp, b1, W2):
    return pl.pallas_call(
        _tc_a2_body,
        grid=(G,),
        in_specs=[
            pl.BlockSpec((NC, R, D), lambda i: (0, i, 0)),
            pl.BlockSpec((R, D), lambda i: (i, 0)),
            pl.BlockSpec((NC, R), lambda i: (0, i)),
            pl.BlockSpec((1, D), lambda i: (0, 0)),
            pl.BlockSpec((D, D), lambda i: (0, 0)),
        ],
        out_specs=pl.BlockSpec((R, D), lambda i: (i, 0)),
        out_shape=jax.ShapeDtypeStruct((N_PAD, D), jnp.float32),
    )(aggp, y1, degp, b1, W2)


def _tc_a3_body(aggp_ref, y_ref, degp_ref, b_ref, out_ref):
    dis = _dis_col(degp_ref[...])
    z = dis * (aggp_ref[0] + aggp_ref[1] + y_ref[...]) + b_ref[...]
    m = jnp.max(z, axis=1, keepdims=True)
    s = jnp.sum(jnp.exp(z - m), axis=1, keepdims=True)
    out_ref[...] = z - m - jnp.log(s)


def _tc_a3(aggp, y2, degp, b2):
    return pl.pallas_call(
        _tc_a3_body,
        grid=(G,),
        in_specs=[
            pl.BlockSpec((NC, R, D), lambda i: (0, i, 0)),
            pl.BlockSpec((R, D), lambda i: (i, 0)),
            pl.BlockSpec((NC, R), lambda i: (0, i)),
            pl.BlockSpec((1, D), lambda i: (0, 0)),
        ],
        out_specs=pl.BlockSpec((R, D), lambda i: (i, 0)),
        out_shape=jax.ShapeDtypeStruct((N_PAD, D), jnp.float32),
    )(aggp, y2, degp, b2)


def kernel(x, edge_index, W1, b1, W2, b2):
    src = edge_index[0]
    dst = edge_index[1]
    pad = E_PAD - E
    ar = jnp.arange(pad, dtype=jnp.int32)
    src_p = jnp.concatenate([src, (ar * 13) % N])
    dst_p = jnp.concatenate([dst, N + (ar * 7) % (N_PAD - N)])
    src3 = src_p.reshape(NW, NCHS, CHS)
    dst3 = dst_p.reshape(NW, NCHS, CHS)
    dst3_deg = dst_p.reshape(NW, NCHUNK, CH)

    zero_rows = jnp.zeros((RPT, D), jnp.float32)
    x_pad = jnp.concatenate([x, jnp.zeros((N_PAD - N, D), jnp.float32)])
    degp = _sc_deg(dst3_deg)
    y1 = _tc_a1(x_pad, W1, degp)
    agg1 = _sc_scatter(src3, dst3, y1, zero_rows)
    y2 = _tc_a2(agg1, y1, degp, b1.reshape(1, D), W2)
    agg2 = _sc_scatter(src3, dst3, y2, zero_rows)
    return _tc_a3(agg2, y2, degp, b2.reshape(1, D))[:N]

# --- scband reference (transcript-rebuilt; emitter-appended) ---
"""Pipeline reference for scband-gcn-16724602651052 (READ-ONLY COPY).

The authoritative reference and input builder live on the scoring server;
editing this copy changes nothing except your own understanding.
"""

import jax, jax.numpy as jnp
import numpy as np

N = 10000
E = 320000
DIN = 128
DH = 128
DOUT = 128


def setup_inputs(seed: int = 0) -> dict:
    key = jax.random.key(seed)
    k1, k2, k3, k4, k5, k6 = jax.random.split(key, 6)
    x = jax.random.normal(k1, (N, DIN), dtype=jnp.float32)
    edge_index = jax.random.randint(k2, (2, E), 0, N, dtype=jnp.int32)
    W1 = jax.random.normal(k3, (DIN, DH), dtype=jnp.float32) * (1.0 / np.sqrt(DIN))
    b1 = jnp.zeros((DH,), dtype=jnp.float32)
    W2 = jax.random.normal(k4, (DH, DOUT), dtype=jnp.float32) * (1.0 / np.sqrt(DH))
    b2 = jnp.zeros((DOUT,), dtype=jnp.float32)
    return {"x": x, "edge_index": edge_index, "W1": W1, "b1": b1, "W2": W2, "b2": b2}


def _gcn_conv(x, edge_index, W, b, n_nodes):
    # GCNConv: out = D^{-1/2} (A + I) D^{-1/2} X W + b
    self_loops = jnp.arange(n_nodes, dtype=edge_index.dtype)
    src = jnp.concatenate([edge_index[0], self_loops])
    dst = jnp.concatenate([edge_index[1], self_loops])
    ones = jnp.ones(src.shape[0], dtype=x.dtype)
    deg = jax.ops.segment_sum(ones, dst, num_segments=n_nodes)
    deg_inv_sqrt = jnp.where(deg > 0, jax.lax.rsqrt(jnp.maximum(deg, 1e-12)), 0.0)
    norm = deg_inv_sqrt[src] * deg_inv_sqrt[dst]
    xw = x @ W
    msgs = xw[src] * norm[:, None]
    out = jax.ops.segment_sum(msgs, dst, num_segments=n_nodes)
    return out + b


def reference(x, edge_index, W1, b1, W2, b2):
    h = _gcn_conv(x, edge_index, W1, b1, N)
    h = jax.nn.relu(h)
    h = _gcn_conv(h, edge_index, W2, b2, N)
    return jax.nn.log_softmax(h, axis=1)

if __name__ == "__main__":
    import jax
    _d = setup_inputs()
    print(jax.jit(kernel)(*tuple(_d.values())))

</pallas_src>

<mosaic_0001>
#map = affine_map<(d0, d1) -> (0, 0, 0)>
#map1 = affine_map<(d0, d1) -> (0, 0)>
module attributes {stable_mosaic.version = 14 : i64} {
  func.func @_sc_scatter_body(%arg0: i32, %arg1: i32, %arg2: memref<32x160x64xi32, #tpu.memory_space<hbm>>, %arg3: memref<32x160x64xi32, #tpu.memory_space<hbm>>, %arg4: memref<10240x128xf32, #tpu.memory_space<hbm>>, %arg5: memref<640x128xf32, #tpu.memory_space<hbm>>, %arg6: memref<2x10240x128xf32, #tpu.memory_space<hbm>>, %arg7: memref<32x64xi32, #tpu.memory_space<vmem>>, %arg8: memref<32x64xi32, #tpu.memory_space<vmem>>, %arg9: memref<64x128xf32, #tpu.memory_space<vmem>>, %arg10: memref<64x128xf32, #tpu.memory_space<vmem>>, %arg11: memref<64x128xf32, #tpu.memory_space<vmem>>, %arg12: memref<64x128xf32, #tpu.memory_space<vmem>>, %arg13: memref<10240x128xf32, #tpu.memory_space<vmem_shared>>, %arg14: memref<!tpu.dma_semaphore, #tpu.memory_space<semaphore_mem>>, %arg15: memref<!tpu.dma_semaphore, #tpu.memory_space<semaphore_mem>>, %arg16: memref<!tpu.dma_semaphore, #tpu.memory_space<semaphore_mem>>, %arg17: memref<!tpu.dma_semaphore, #tpu.memory_space<semaphore_mem>>) attributes {dimension_semantics = [#tpu.dimension_semantics<core_parallel>, #tpu.dimension_semantics<subcore_parallel>], iteration_bounds = array<i64: 2, 16>, scalar_prefetch = 0 : i64, scratch_operands = 11 : i64, tpu.core_type = #tpu.core_type<sc_vector_subcore>, window_params = [{transform_indices = #map}, {transform_indices = #map}, {transform_indices = #map1}, {transform_indices = #map1}, {transform_indices = #map}]} {
    %mul3A = arith.constant 16 : i32
    %mul3A_0 = arith.muli %arg0, %mul3A : i32
    %add3A = arith.addi %mul3A_0, %arg1 : i32
    %mul3A_1 = arith.constant 640 : i32
    %mul3A_2 = arith.muli %arg1, %mul3A_1 : i32
    "tpu.region"() ({
      %run_scoped3A = tpu.sem_alloc : memref<!tpu.dma_semaphore, #tpu.memory_space<semaphore_mem>>
      %dma_start3A = arith.constant 0 : i32
      %dma_start3A_13 = tpu.memref_slice %arg13[%mul3A_2, %dma_start3A] : memref<10240x128xf32, #tpu.memory_space<vmem_shared>> -> memref<640x128xf32, #tpu.memory_space<vmem_shared>>
      tpu.enqueue_dma source(%arg5 : memref<640x128xf32, #tpu.memory_space<hbm>>) target(%dma_start3A_13 : memref<640x128xf32, #tpu.memory_space<vmem_shared>>) target_semaphore(%run_scoped3A : memref<!tpu.dma_semaphore, #tpu.memory_space<semaphore_mem>>)
      %dma_wait3A = arith.constant 0 : i32
      %dma_wait3A_14 = tpu.memref_slice %arg13[%mul3A_2, %dma_wait3A] : memref<10240x128xf32, #tpu.memory_space<vmem_shared>> -> memref<640x128xf32, #tpu.memory_space<vmem_shared>>
      tpu.wait_dma2 semaphore(%run_scoped3A : memref<!tpu.dma_semaphore, #tpu.memory_space<semaphore_mem>>) src(%arg5 : memref<640x128xf32, #tpu.memory_space<hbm>>) dst(%dma_wait3A_14 : memref<640x128xf32, #tpu.memory_space<vmem_shared>>)
      tpu.yield
    }) : () -> ()
    %barrier3A = arith.constant 0 : index
    tpu.barrier barrier_id(%barrier3A)
    %scan3A = arith.constant 0 : i32
    %scan3A_3 = arith.constant 0 : i32
    %scan3A_4 = arith.constant 5 : i32
    %scan3A_5 = arith.addi %scan3A_3, %scan3A_4 : i32
    %scan3A_6 = arith.constant 1 : i32
    scf.for %scan3A_13 = %scan3A_3 to %scan3A_5 step %scan3A_6  : i32 {
      %mul3A_14 = arith.constant 32 : i32
      %mul3A_15 = arith.muli %scan3A_13, %mul3A_14 : i32
      "tpu.region"() ({
        %run_scoped3A_77 = tpu.sem_alloc : memref<!tpu.dma_semaphore, #tpu.memory_space<semaphore_mem>>
        %dma_start3A_78 = arith.constant 0 : i32
        %dma_start3A_79 = tpu.memref_slice %arg2[%add3A, %mul3A_15, %dma_start3A_78] : memref<32x160x64xi32, #tpu.memory_space<hbm>> -> memref<1x32x64xi32, #tpu.memory_space<hbm>>
        %dma_start3A_80 = tpu.memref_squeeze %dma_start3A_79 : memref<1x32x64xi32, #tpu.memory_space<hbm>> -> memref<32x64xi32, #tpu.memory_space<hbm>>
        %dma_start3A_81 = arith.constant 0 : i32
        %dma_start3A_82 = tpu.memref_slice %arg2[%add3A, %mul3A_15, %dma_start3A_81] : memref<32x160x64xi32, #tpu.memory_space<hbm>> -> memref<1x32x64xi32, #tpu.memory_space<hbm>>
        %dma_start3A_83 = tpu.memref_squeeze %dma_start3A_82 : memref<1x32x64xi32, #tpu.memory_space<hbm>> -> memref<32x64xi32, #tpu.memory_space<hbm>>
        tpu.enqueue_dma source(%dma_start3A_83 : memref<32x64xi32, #tpu.memory_space<hbm>>) target(%arg7 : memref<32x64xi32, #tpu.memory_space<vmem>>) target_semaphore(%run_scoped3A_77 : memref<!tpu.dma_semaphore, #tpu.memory_space<semaphore_mem>>)
        %dma_wait3A_84 = arith.constant 0 : i32
        %dma_wait3A_85 = tpu.memref_slice %arg2[%add3A, %mul3A_15, %dma_wait3A_84] : memref<32x160x64xi32, #tpu.memory_space<hbm>> -> memref<1x32x64xi32, #tpu.memory_space<hbm>>
        %dma_wait3A_86 = tpu.memref_squeeze %dma_wait3A_85 : memref<1x32x64xi32, #tpu.memory_space<hbm>> -> memref<32x64xi32, #tpu.memory_space<hbm>>
        %dma_wait3A_87 = arith.constant 0 : i32
        %dma_wait3A_88 = tpu.memref_slice %arg2[%add3A, %mul3A_15, %dma_wait3A_87] : memref<32x160x64xi32, #tpu.memory_space<hbm>> -> memref<1x32x64xi32, #tpu.memory_space<hbm>>
        %dma_wait3A_89 = tpu.memref_squeeze %dma_wait3A_88 : memref<1x32x64xi32, #tpu.memory_space<hbm>> -> memref<32x64xi32, #tpu.memory_space<hbm>>
        tpu.wait_dma2 semaphore(%run_scoped3A_77 : memref<!tpu.dma_semaphore, #tpu.memory_space<semaphore_mem>>) src(%dma_wait3A_89 : memref<32x64xi32, #tpu.memory_space<hbm>>) dst(%arg7 : memref<32x64xi32, #tpu.memory_space<vmem>>)
        tpu.yield
      }) : () -> ()
      %mul3A_16 = arith.constant 32 : i32
      %mul3A_17 = arith.muli %scan3A_13, %mul3A_16 : i32
      "tpu.region"() ({
        %run_scoped3A_77 = tpu.sem_alloc : memref<!tpu.dma_semaphore, #tpu.memory_space<semaphore_mem>>
        %dma_start3A_78 = arith.constant 0 : i32
        %dma_start3A_79 = tpu.memref_slice %arg3[%add3A, %mul3A_17, %dma_start3A_78] : memref<32x160x64xi32, #tpu.memory_space<hbm>> -> memref<1x32x64xi32, #tpu.memory_space<hbm>>
        %dma_start3A_80 = tpu.memref_squeeze %dma_start3A_79 : memref<1x32x64xi32, #tpu.memory_space<hbm>> -> memref<32x64xi32, #tpu.memory_space<hbm>>
        %dma_start3A_81 = arith.constant 0 : i32
        %dma_start3A_82 = tpu.memref_slice %arg3[%add3A, %mul3A_17, %dma_start3A_81] : memref<32x160x64xi32, #tpu.memory_space<hbm>> -> memref<1x32x64xi32, #tpu.memory_space<hbm>>
        %dma_start3A_83 = tpu.memref_squeeze %dma_start3A_82 : memref<1x32x64xi32, #tpu.memory_space<hbm>> -> memref<32x64xi32, #tpu.memory_space<hbm>>
        tpu.enqueue_dma source(%dma_start3A_83 : memref<32x64xi32, #tpu.memory_space<hbm>>) target(%arg8 : memref<32x64xi32, #tpu.memory_space<vmem>>) target_semaphore(%run_scoped3A_77 : memref<!tpu.dma_semaphore, #tpu.memory_space<semaphore_mem>>)
        %dma_wait3A_84 = arith.constant 0 : i32
        %dma_wait3A_85 = tpu.memref_slice %arg3[%add3A, %mul3A_17, %dma_wait3A_84] : memref<32x160x64xi32, #tpu.memory_space<hbm>> -> memref<1x32x64xi32, #tpu.memory_space<hbm>>
        %dma_wait3A_86 = tpu.memref_squeeze %dma_wait3A_85 : memref<1x32x64xi32, #tpu.memory_space<hbm>> -> memref<32x64xi32, #tpu.memory_space<hbm>>
        %dma_wait3A_87 = arith.constant 0 : i32
        %dma_wait3A_88 = tpu.memref_slice %arg3[%add3A, %mul3A_17, %dma_wait3A_87] : memref<32x160x64xi32, #tpu.memory_space<hbm>> -> memref<1x32x64xi32, #tpu.memory_space<hbm>>
        %dma_wait3A_89 = tpu.memref_squeeze %dma_wait3A_88 : memref<1x32x64xi32, #tpu.memory_space<hbm>> -> memref<32x64xi32, #tpu.memory_space<hbm>>
        tpu.wait_dma2 semaphore(%run_scoped3A_77 : memref<!tpu.dma_semaphore, #tpu.memory_space<semaphore_mem>>) src(%dma_wait3A_89 : memref<32x64xi32, #tpu.memory_space<hbm>>) dst(%arg8 : memref<32x64xi32, #tpu.memory_space<vmem>>)
        tpu.yield
      }) : () -> ()
      %dma_start3A = arith.constant 0 : i32
      %dma_start3A_18 = arith.constant 0 : i32
      %dma_start3A_19 = tpu.memref_slice %arg7[%dma_start3A, %dma_start3A_18] : memref<32x64xi32, #tpu.memory_space<vmem>> -> memref<1x64xi32, #tpu.memory_space<vmem>>
      %dma_start3A_20 = tpu.memref_squeeze %dma_start3A_19 : memref<1x64xi32, #tpu.memory_space<vmem>> -> memref<64xi32, #tpu.memory_space<vmem>>
      %dma_start3A_21 = arith.constant 0 : i32
      %dma_start3A_22 = arith.constant 0 : i32
      %dma_start3A_23 = tpu.memref_slice %arg4[%dma_start3A_21, %dma_start3A_22] : memref<10240x128xf32, #tpu.memory_space<hbm>> -> memref<10240x128xf32, #tpu.memory_space<hbm>>
      tpu.enqueue_indirect_dma source(%dma_start3A_23 : memref<10240x128xf32, #tpu.memory_space<hbm>>) target(%arg9 : memref<64x128xf32, #tpu.memory_space<vmem>>) offsets(%dma_start3A_20 : memref<64xi32, #tpu.memory_space<vmem>>) semaphore(%arg14 : memref<!tpu.dma_semaphore, #tpu.memory_space<semaphore_mem>>)
      %dma_start3A_24 = arith.constant 1 : i32
      %dma_start3A_25 = arith.constant 0 : i32
      %dma_start3A_26 = tpu.memref_slice %arg7[%dma_start3A_24, %dma_start3A_25] : memref<32x64xi32, #tpu.memory_space<vmem>> -> memref<1x64xi32, #tpu.memory_space<vmem>>
      %dma_start3A_27 = tpu.memref_squeeze %dma_start3A_26 : memref<1x64xi32, #tpu.memory_space<vmem>> -> memref<64xi32, #tpu.memory_space<vmem>>
      %dma_start3A_28 = arith.constant 0 : i32
      %dma_start3A_29 = arith.constant 0 : i32
      %dma_start3A_30 = tpu.memref_slice %arg4[%dma_start3A_28, %dma_start3A_29] : memref<10240x128xf32, #tpu.memory_space<hbm>> -> memref<10240x128xf32, #tpu.memory_space<hbm>>
      tpu.enqueue_indirect_dma source(%dma_start3A_30 : memref<10240x128xf32, #tpu.memory_space<hbm>>) target(%arg10 : memref<64x128xf32, #tpu.memory_space<vmem>>) offsets(%dma_start3A_27 : memref<64xi32, #tpu.memory_space<vmem>>) semaphore(%arg15 : memref<!tpu.dma_semaphore, #tpu.memory_space<semaphore_mem>>)
      %dma_start3A_31 = arith.constant 2 : i32
      %dma_start3A_32 = arith.constant 0 : i32
      %dma_start3A_33 = tpu.memref_slice %arg7[%dma_start3A_31, %dma_start3A_32] : memref<32x64xi32, #tpu.memory_space<vmem>> -> memref<1x64xi32, #tpu.memory_space<vmem>>
      %dma_start3A_34 = tpu.memref_squeeze %dma_start3A_33 : memref<1x64xi32, #tpu.memory_space<vmem>> -> memref<64xi32, #tpu.memory_space<vmem>>
      %dma_start3A_35 = arith.constant 0 : i32
      %dma_start3A_36 = arith.constant 0 : i32
      %dma_start3A_37 = tpu.memref_slice %arg4[%dma_start3A_35, %dma_start3A_36] : memref<10240x128xf32, #tpu.memory_space<hbm>> -> memref<10240x128xf32, #tpu.memory_space<hbm>>
      tpu.enqueue_indirect_dma source(%dma_start3A_37 : memref<10240x128xf32, #tpu.memory_space<hbm>>) target(%arg11 : memref<64x128xf32, #tpu.memory_space<vmem>>) offsets(%dma_start3A_34 : memref<64xi32, #tpu.memory_space<vmem>>) semaphore(%arg16 : memref<!tpu.dma_semaphore, #tpu.memory_space<semaphore_mem>>)
      %dma_start3A_38 = arith.constant 3 : i32
      %dma_start3A_39 = arith.constant 0 : i32
      %dma_start3A_40 = tpu.memref_slice %arg7[%dma_start3A_38, %dma_start3A_39] : memref<32x64xi32, #tpu.memory_space<vmem>> -> memref<1x64xi32, #tpu.memory_space<vmem>>
      %dma_start3A_41 = tpu.memref_squeeze %dma_start3A_40 : memref<1x64xi32, #tpu.memory_space<vmem>> -> memref<64xi32, #tpu.memory_space<vmem>>
      %dma_start3A_42 = arith.constant 0 : i32
      %dma_start3A_43 = arith.constant 0 : i32
      %dma_start3A_44 = tpu.memref_slice %arg4[%dma_start3A_42, %dma_start3A_43] : memref<10240x128xf32, #tpu.memory_space<hbm>> -> memref<10240x128xf32, #tpu.memory_space<hbm>>
      tpu.enqueue_indirect_dma source(%dma_start3A_44 : memref<10240x128xf32, #tpu.memory_space<hbm>>) target(%arg12 : memref<64x128xf32, #tpu.memory_space<vmem>>) offsets(%dma_start3A_41 : memref<64xi32, #tpu.memory_space<vmem>>) semaphore(%arg17 : memref<!tpu.dma_semaphore, #tpu.memory_space<semaphore_mem>>)
      %scan3A_45 = arith.constant 0 : i32
      %scan3A_46 = arith.constant 0 : i32
      %scan3A_47 = arith.constant 7 : i32
      %scan3A_48 = arith.addi %scan3A_46, %scan3A_47 : i32
      %scan3A_49 = arith.constant 1 : i32
      scf.for %scan3A_77 = %scan3A_46 to %scan3A_48 step %scan3A_49  : i32 {
        %mul3A_78 = arith.constant 4 : i32
        %mul3A_79 = arith.muli %scan3A_77, %mul3A_78 : i32
        %dma_wait3A_80 = arith.constant 0 : i32
        %dma_wait3A_81 = arith.constant 0 : i32
        %dma_wait3A_82 = tpu.memref_slice %arg4[%dma_wait3A_80, %dma_wait3A_81] : memref<10240x128xf32, #tpu.memory_space<hbm>> -> memref<64x128xf32, #tpu.memory_space<hbm>>
        %dma_wait3A_83 = arith.constant 0 : i32
        %dma_wait3A_84 = arith.constant 0 : i32
        %dma_wait3A_85 = tpu.memref_slice %arg4[%dma_wait3A_83, %dma_wait3A_84] : memref<10240x128xf32, #tpu.memory_space<hbm>> -> memref<64x128xf32, #tpu.memory_space<hbm>>
        tpu.wait_dma2 semaphore(%arg14 : memref<!tpu.dma_semaphore, #tpu.memory_space<semaphore_mem>>) src(%dma_wait3A_85 : memref<64x128xf32, #tpu.memory_space<hbm>>) dst(%arg9 : memref<64x128xf32, #tpu.memory_space<vmem>>)
        %add3A_86 = arith.constant 0 : i32
        %add3A_87 = arith.addi %mul3A_79, %add3A_86 : i32
        "tpu.region"() ({
          %run_scoped3A_152 = tpu.sem_alloc : memref<!tpu.dma_semaphore, #tpu.memory_space<semaphore_mem>>
          %dma_start3A_153 = arith.constant 0 : i32
          %dma_start3A_154 = tpu.memref_slice %arg8[%add3A_87, %dma_start3A_153] : memref<32x64xi32, #tpu.memory_space<vmem>> -> memref<1x64xi32, #tpu.memory_space<vmem>>
          %dma_start3A_155 = tpu.memref_squeeze %dma_start3A_154 : memref<1x64xi32, #tpu.memory_space<vmem>> -> memref<64xi32, #tpu.memory_space<vmem>>
          %dma_start3A_156 = arith.constant 0 : i32
          %dma_start3A_157 = arith.constant 0 : i32
          %dma_start3A_158 = tpu.memref_slice %arg13[%dma_start3A_156, %dma_start3A_157] : memref<10240x128xf32, #tpu.memory_space<vmem_shared>> -> memref<10240x128xf32, #tpu.memory_space<vmem_shared>>
          tpu.enqueue_indirect_dma source(%arg9 : memref<64x128xf32, #tpu.memory_space<vmem>>) target(%dma_start3A_158 : memref<10240x128xf32, #tpu.memory_space<vmem_shared>>) offsets(%dma_start3A_155 : memref<64xi32, #tpu.memory_space<vmem>>) semaphore(%run_scoped3A_152 : memref<!tpu.dma_semaphore, #tpu.memory_space<semaphore_mem>>) {add = true}
          %dma_wait3A_159 = arith.constant 0 : i32
          %dma_wait3A_160 = tpu.memref_slice %arg8[%add3A_87, %dma_wait3A_159] : memref<32x64xi32, #tpu.memory_space<vmem>> -> memref<1x64xi32, #tpu.memory_space<vmem>>
          %dma_wait3A_161 = tpu.memref_squeeze %dma_wait3A_160 : memref<1x64xi32, #tpu.memory_space<vmem>> -> memref<64xi32, #tpu.memory_space<vmem>>
          %dma_wait3A_162 = arith.constant 0 : i32
          %dma_wait3A_163 = arith.constant 0 : i32
          %dma_wait3A_164 = tpu.memref_slice %arg13[%dma_wait3A_162, %dma_wait3A_163] : memref<10240x128xf32, #tpu.memory_space<vmem_shared>> -> memref<10240x128xf32, #tpu.memory_space<vmem_shared>>
          tpu.wait_indirect_dma semaphore(%run_scoped3A_152 : memref<!tpu.dma_semaphore, #tpu.memory_space<semaphore_mem>>) src(%arg9 : memref<64x128xf32, #tpu.memory_space<vmem>>) dst(%dma_wait3A_164 : memref<10240x128xf32, #tpu.memory_space<vmem_shared>>)
          tpu.yield
        }) : () -> ()
        %add3A_88 = arith.constant 4 : i32
        %add3A_89 = arith.addi %mul3A_79, %add3A_88 : i32
        %add3A_90 = arith.constant 0 : i32
        %add3A_91 = arith.addi %add3A_89, %add3A_90 : i32
        %dma_start3A_92 = arith.constant 0 : i32
        %dma_start3A_93 = tpu.memref_slice %arg7[%add3A_91, %dma_start3A_92] : memref<32x64xi32, #tpu.memory_space<vmem>> -> memref<1x64xi32, #tpu.memory_space<vmem>>
        %dma_start3A_94 = tpu.memref_squeeze %dma_start3A_93 : memref<1x64xi32, #tpu.memory_space<vmem>> -> memref<64xi32, #tpu.memory_space<vmem>>
        %dma_start3A_95 = arith.constant 0 : i32
        %dma_start3A_96 = arith.constant 0 : i32
        %dma_start3A_97 = tpu.memref_slice %arg4[%dma_start3A_95, %dma_start3A_96] : memref<10240x128xf32, #tpu.memory_space<hbm>> -> memref<10240x128xf32, #tpu.memory_space<hbm>>
        tpu.enqueue_indirect_dma source(%dma_start3A_97 : memref<10240x128xf32, #tpu.memory_space<hbm>>) target(%arg9 : memref<64x128xf32, #tpu.memory_space<vmem>>) offsets(%dma_start3A_94 : memref<64xi32, #tpu.memory_space<vmem>>) semaphore(%arg14 : memref<!tpu.dma_semaphore, #tpu.memory_space<semaphore_mem>>)
        %dma_wait3A_98 = arith.constant 0 : i32
        %dma_wait3A_99 = arith.constant 0 : i32
        %dma_wait3A_100 = tpu.memref_slice %arg4[%dma_wait3A_98, %dma_wait3A_99] : memref<10240x128xf32, #tpu.memory_space<hbm>> -> memref<64x128xf32, #tpu.memory_space<hbm>>
        %dma_wait3A_101 = arith.constant 0 : i32
        %dma_wait3A_102 = arith.constant 0 : i32
        %dma_wait3A_103 = tpu.memref_slice %arg4[%dma_wait3A_101, %dma_wait3A_102] : memref<10240x128xf32, #tpu.memory_space<hbm>> -> memref<64x128xf32, #tpu.memory_space<hbm>>
        tpu.wait_dma2 semaphore(%arg15 : memref<!tpu.dma_semaphore, #tpu.memory_space<semaphore_mem>>) src(%dma_wait3A_103 : memref<64x128xf32, #tpu.memory_space<hbm>>) dst(%arg10 : memref<64x128xf32, #tpu.memory_space<vmem>>)
        %add3A_104 = arith.constant 1 : i32
        %add3A_105 = arith.addi %mul3A_79, %add3A_104 : i32
        "tpu.region"() ({
          %run_scoped3A_152 = tpu.sem_alloc : memref<!tpu.dma_semaphore, #tpu.memory_space<semaphore_mem>>
          %dma_start3A_153 = arith.constant 0 : i32
          %dma_start3A_154 = tpu.memref_slice %arg8[%add3A_105, %dma_start3A_153] : memref<32x64xi32, #tpu.memory_space<vmem>> -> memref<1x64xi32, #tpu.memory_space<vmem>>
          %dma_start3A_155 = tpu.memref_squeeze %dma_start3A_154 : memref<1x64xi32, #tpu.memory_space<vmem>> -> memref<64xi32, #tpu.memory_space<vmem>>
          %dma_start3A_156 = arith.constant 0 : i32
          %dma_start3A_157 = arith.constant 0 : i32
          %dma_start3A_158 = tpu.memref_slice %arg13[%dma_start3A_156, %dma_start3A_157] : memref<10240x128xf32, #tpu.memory_space<vmem_shared>> -> memref<10240x128xf32, #tpu.memory_space<vmem_shared>>
          tpu.enqueue_indirect_dma source(%arg10 : memref<64x128xf32, #tpu.memory_space<vmem>>) target(%dma_start3A_158 : memref<10240x128xf32, #tpu.memory_space<vmem_shared>>) offsets(%dma_start3A_155 : memref<64xi32, #tpu.memory_space<vmem>>) semaphore(%run_scoped3A_152 : memref<!tpu.dma_semaphore, #tpu.memory_space<semaphore_mem>>) {add = true}
          %dma_wait3A_159 = arith.constant 0 : i32
          %dma_wait3A_160 = tpu.memref_slice %arg8[%add3A_105, %dma_wait3A_159] : memref<32x64xi32, #tpu.memory_space<vmem>> -> memref<1x64xi32, #tpu.memory_space<vmem>>
          %dma_wait3A_161 = tpu.memref_squeeze %dma_wait3A_160 : memref<1x64xi32, #tpu.memory_space<vmem>> -> memref<64xi32, #tpu.memory_space<vmem>>
          %dma_wait3A_162 = arith.constant 0 : i32
          %dma_wait3A_163 = arith.constant 0 : i32
          %dma_wait3A_164 = tpu.memref_slice %arg13[%dma_wait3A_162, %dma_wait3A_163] : memref<10240x128xf32, #tpu.memory_space<vmem_shared>> -> memref<10240x128xf32, #tpu.memory_space<vmem_shared>>
          tpu.wait_indirect_dma semaphore(%run_scoped3A_152 : memref<!tpu.dma_semaphore, #tpu.memory_space<semaphore_mem>>) src(%arg10 : memref<64x128xf32, #tpu.memory_space<vmem>>) dst(%dma_wait3A_164 : memref<10240x128xf32, #tpu.memory_space<vmem_shared>>)
          tpu.yield
        }) : () -> ()
        %add3A_106 = arith.constant 4 : i32
        %add3A_107 = arith.addi %mul3A_79, %add3A_106 : i32
        %add3A_108 = arith.constant 1 : i32
        %add3A_109 = arith.addi %add3A_107, %add3A_108 : i32
        %dma_start3A_110 = arith.constant 0 : i32
        %dma_start3A_111 = tpu.memref_slice %arg7[%add3A_109, %dma_start3A_110] : memref<32x64xi32, #tpu.memory_space<vmem>> -> memref<1x64xi32, #tpu.memory_space<vmem>>
        %dma_start3A_112 = tpu.memref_squeeze %dma_start3A_111 : memref<1x64xi32, #tpu.memory_space<vmem>> -> memref<64xi32, #tpu.memory_space<vmem>>
        %dma_start3A_113 = arith.constant 0 : i32
        %dma_start3A_114 = arith.constant 0 : i32
        %dma_start3A_115 = tpu.memref_slice %arg4[%dma_start3A_113, %dma_start3A_114] : memref<10240x128xf32, #tpu.memory_space<hbm>> -> memref<10240x128xf32, #tpu.memory_space<hbm>>
        tpu.enqueue_indirect_dma source(%dma_start3A_115 : memref<10240x128xf32, #tpu.memory_space<hbm>>) target(%arg10 : memref<64x128xf32, #tpu.memory_space<vmem>>) offsets(%dma_start3A_112 : memref<64xi32, #tpu.memory_space<vmem>>) semaphore(%arg15 : memref<!tpu.dma_semaphore, #tpu.memory_space<semaphore_mem>>)
        %dma_wait3A_116 = arith.constant 0 : i32
        %dma_wait3A_117 = arith.constant 0 : i32
        %dma_wait3A_118 = tpu.memref_slice %arg4[%dma_wait3A_116, %dma_wait3A_117] : memref<10240x128xf32, #tpu.memory_space<hbm>> -> memref<64x128xf32, #tpu.memory_space<hbm>>
        %dma_wait3A_119 = arith.constant 0 : i32
        %dma_wait3A_120 = arith.constant 0 : i32
        %dma_wait3A_121 = tpu.memref_slice %arg4[%dma_wait3A_119, %dma_wait3A_120] : memref<10240x128xf32, #tpu.memory_space<hbm>> -> memref<64x128xf32, #tpu.memory_space<hbm>>
        tpu.wait_dma2 semaphore(%arg16 : memref<!tpu.dma_semaphore, #tpu.memory_space<semaphore_mem>>) src(%dma_wait3A_121 : memref<64x128xf32, #tpu.memory_space<hbm>>) dst(%arg11 : memref<64x128xf32, #tpu.memory_space<vmem>>)
        %add3A_122 = arith.constant 2 : i32
        %add3A_123 = arith.addi %mul3A_79, %add3A_122 : i32
        "tpu.region"() ({
          %run_scoped3A_152 = tpu.sem_alloc : memref<!tpu.dma_semaphore, #tpu.memory_space<semaphore_mem>>
          %dma_start3A_153 = arith.constant 0 : i32
          %dma_start3A_154 = tpu.memref_slice %arg8[%add3A_123, %dma_start3A_153] : memref<32x64xi32, #tpu.memory_space<vmem>> -> memref<1x64xi32, #tpu.memory_space<vmem>>
          %dma_start3A_155 = tpu.memref_squeeze %dma_start3A_154 : memref<1x64xi32, #tpu.memory_space<vmem>> -> memref<64xi32, #tpu.memory_space<vmem>>
          %dma_start3A_156 = arith.constant 0 : i32
          %dma_start3A_157 = arith.constant 0 : i32
          %dma_start3A_158 = tpu.memref_slice %arg13[%dma_start3A_156, %dma_start3A_157] : memref<10240x128xf32, #tpu.memory_space<vmem_shared>> -> memref<10240x128xf32, #tpu.memory_space<vmem_shared>>
          tpu.enqueue_indirect_dma source(%arg11 : memref<64x128xf32, #tpu.memory_space<vmem>>) target(%dma_start3A_158 : memref<10240x128xf32, #tpu.memory_space<vmem_shared>>) offsets(%dma_start3A_155 : memref<64xi32, #tpu.memory_space<vmem>>) semaphore(%run_scoped3A_152 : memref<!tpu.dma_semaphore, #tpu.memory_space<semaphore_mem>>) {add = true}
          %dma_wait3A_159 = arith.constant 0 : i32
          %dma_wait3A_160 = tpu.memref_slice %arg8[%add3A_123, %dma_wait3A_159] : memref<32x64xi32, #tpu.memory_space<vmem>> -> memref<1x64xi32, #tpu.memory_space<vmem>>
          %dma_wait3A_161 = tpu.memref_squeeze %dma_wait3A_160 : memref<1x64xi32, #tpu.memory_space<vmem>> -> memref<64xi32, #tpu.memory_space<vmem>>
          %dma_wait3A_162 = arith.constant 0 : i32
          %dma_wait3A_163 = arith.constant 0 : i32
          %dma_wait3A_164 = tpu.memref_slice %arg13[%dma_wait3A_162, %dma_wait3A_163] : memref<10240x128xf32, #tpu.memory_space<vmem_shared>> -> memref<10240x128xf32, #tpu.memory_space<vmem_shared>>
          tpu.wait_indirect_dma semaphore(%run_scoped3A_152 : memref<!tpu.dma_semaphore, #tpu.memory_space<semaphore_mem>>) src(%arg11 : memref<64x128xf32, #tpu.memory_space<vmem>>) dst(%dma_wait3A_164 : memref<10240x128xf32, #tpu.memory_space<vmem_shared>>)
          tpu.yield
        }) : () -> ()
        %add3A_124 = arith.constant 4 : i32
        %add3A_125 = arith.addi %mul3A_79, %add3A_124 : i32
        %add3A_126 = arith.constant 2 : i32
        %add3A_127 = arith.addi %add3A_125, %add3A_126 : i32
        %dma_start3A_128 = arith.constant 0 : i32
        %dma_start3A_129 = tpu.memref_slice %arg7[%add3A_127, %dma_start3A_128] : memref<32x64xi32, #tpu.memory_space<vmem>> -> memref<1x64xi32, #tpu.memory_space<vmem>>
        %dma_start3A_130 = tpu.memref_squeeze %dma_start3A_129 : memref<1x64xi32, #tpu.memory_space<vmem>> -> memref<64xi32, #tpu.memory_space<vmem>>
        %dma_start3A_131 = arith.constant 0 : i32
        %dma_start3A_132 = arith.constant 0 : i32
        %dma_start3A_133 = tpu.memref_slice %arg4[%dma_start3A_131, %dma_start3A_132] : memref<10240x128xf32, #tpu.memory_space<hbm>> -> memref<10240x128xf32, #tpu.memory_space<hbm>>
        tpu.enqueue_indirect_dma source(%dma_start3A_133 : memref<10240x128xf32, #tpu.memory_space<hbm>>) target(%arg11 : memref<64x128xf32, #tpu.memory_space<vmem>>) offsets(%dma_start3A_130 : memref<64xi32, #tpu.memory_space<vmem>>) semaphore(%arg16 : memref<!tpu.dma_semaphore, #tpu.memory_space<semaphore_mem>>)
        %dma_wait3A_134 = arith.constant 0 : i32
        %dma_wait3A_135 = arith.constant 0 : i32
        %dma_wait3A_136 = tpu.memref_slice %arg4[%dma_wait3A_134, %dma_wait3A_135] : memref<10240x128xf32, #tpu.memory_space<hbm>> -> memref<64x128xf32, #tpu.memory_space<hbm>>
        %dma_wait3A_137 = arith.constant 0 : i32
        %dma_wait3A_138 = arith.constant 0 : i32
        %dma_wait3A_139 = tpu.memref_slice %arg4[%dma_wait3A_137, %dma_wait3A_138] : memref<10240x128xf32, #tpu.memory_space<hbm>> -> memref<64x128xf32, #tpu.memory_space<hbm>>
        tpu.wait_dma2 semaphore(%arg17 : memref<!tpu.dma_semaphore, #tpu.memory_space<semaphore_mem>>) src(%dma_wait3A_139 : memref<64x128xf32, #tpu.memory_space<hbm>>) dst(%arg12 : memref<64x128xf32, #tpu.memory_space<vmem>>)
        %add3A_140 = arith.constant 3 : i32
        %add3A_141 = arith.addi %mul3A_79, %add3A_140 : i32
        "tpu.region"() ({
          %run_scoped3A_152 = tpu.sem_alloc : memref<!tpu.dma_semaphore, #tpu.memory_space<semaphore_mem>>
          %dma_start3A_153 = arith.constant 0 : i32
          %dma_start3A_154 = tpu.memref_slice %arg8[%add3A_141, %dma_start3A_153] : memref<32x64xi32, #tpu.memory_space<vmem>> -> memref<1x64xi32, #tpu.memory_space<vmem>>
          %dma_start3A_155 = tpu.memref_squeeze %dma_start3A_154 : memref<1x64xi32, #tpu.memory_space<vmem>> -> memref<64xi32, #tpu.memory_space<vmem>>
          %dma_start3A_156 = arith.constant 0 : i32
          %dma_start3A_157 = arith.constant 0 : i32
          %dma_start3A_158 = tpu.memref_slice %arg13[%dma_start3A_156, %dma_start3A_157] : memref<10240x128xf32, #tpu.memory_space<vmem_shared>> -> memref<10240x128xf32, #tpu.memory_space<vmem_shared>>
          tpu.enqueue_indirect_dma source(%arg12 : memref<64x128xf32, #tpu.memory_space<vmem>>) target(%dma_start3A_158 : memref<10240x128xf32, #tpu.memory_space<vmem_shared>>) offsets(%dma_start3A_155 : memref<64xi32, #tpu.memory_space<vmem>>) semaphore(%run_scoped3A_152 : memref<!tpu.dma_semaphore, #tpu.memory_space<semaphore_mem>>) {add = true}
          %dma_wait3A_159 = arith.constant 0 : i32
          %dma_wait3A_160 = tpu.memref_slice %arg8[%add3A_141, %dma_wait3A_159] : memref<32x64xi32, #tpu.memory_space<vmem>> -> memref<1x64xi32, #tpu.memory_space<vmem>>
          %dma_wait3A_161 = tpu.memref_squeeze %dma_wait3A_160 : memref<1x64xi32, #tpu.memory_space<vmem>> -> memref<64xi32, #tpu.memory_space<vmem>>
          %dma_wait3A_162 = arith.constant 0 : i32
          %dma_wait3A_163 = arith.constant 0 : i32
          %dma_wait3A_164 = tpu.memref_slice %arg13[%dma_wait3A_162, %dma_wait3A_163] : memref<10240x128xf32, #tpu.memory_space<vmem_shared>> -> memref<10240x128xf32, #tpu.memory_space<vmem_shared>>
          tpu.wait_indirect_dma semaphore(%run_scoped3A_152 : memref<!tpu.dma_semaphore, #tpu.memory_space<semaphore_mem>>) src(%arg12 : memref<64x128xf32, #tpu.memory_space<vmem>>) dst(%dma_wait3A_164 : memref<10240x128xf32, #tpu.memory_space<vmem_shared>>)
          tpu.yield
        }) : () -> ()
        %add3A_142 = arith.constant 4 : i32
        %add3A_143 = arith.addi %mul3A_79, %add3A_142 : i32
        %add3A_144 = arith.constant 3 : i32
        %add3A_145 = arith.addi %add3A_143, %add3A_144 : i32
        %dma_start3A_146 = arith.constant 0 : i32
        %dma_start3A_147 = tpu.memref_slice %arg7[%add3A_145, %dma_start3A_146] : memref<32x64xi32, #tpu.memory_space<vmem>> -> memref<1x64xi32, #tpu.memory_space<vmem>>
        %dma_start3A_148 = tpu.memref_squeeze %dma_start3A_147 : memref<1x64xi32, #tpu.memory_space<vmem>> -> memref<64xi32, #tpu.memory_space<vmem>>
        %dma_start3A_149 = arith.constant 0 : i32
        %dma_start3A_150 = arith.constant 0 : i32
        %dma_start3A_151 = tpu.memref_slice %arg4[%dma_start3A_149, %dma_start3A_150] : memref<10240x128xf32, #tpu.memory_space<hbm>> -> memref<10240x128xf32, #tpu.memory_space<hbm>>
        tpu.enqueue_indirect_dma source(%dma_start3A_151 : memref<10240x128xf32, #tpu.memory_space<hbm>>) target(%arg12 : memref<64x128xf32, #tpu.memory_space<vmem>>) offsets(%dma_start3A_148 : memref<64xi32, #tpu.memory_space<vmem>>) semaphore(%arg17 : memref<!tpu.dma_semaphore, #tpu.memory_space<semaphore_mem>>)
      }
      %scan3A_50 = arith.constant 7 : i32
      %dma_wait3A = arith.constant 0 : i32
      %dma_wait3A_51 = arith.constant 0 : i32
      %dma_wait3A_52 = tpu.memref_slice %arg4[%dma_wait3A, %dma_wait3A_51] : memref<10240x128xf32, #tpu.memory_space<hbm>> -> memref<64x128xf32, #tpu.memory_space<hbm>>
      %dma_wait3A_53 = arith.constant 0 : i32
      %dma_wait3A_54 = arith.constant 0 : i32
      %dma_wait3A_55 = tpu.memref_slice %arg4[%dma_wait3A_53, %dma_wait3A_54] : memref<10240x128xf32, #tpu.memory_space<hbm>> -> memref<64x128xf32, #tpu.memory_space<hbm>>
      tpu.wait_dma2 semaphore(%arg14 : memref<!tpu.dma_semaphore, #tpu.memory_space<semaphore_mem>>) src(%dma_wait3A_55 : memref<64x128xf32, #tpu.memory_space<hbm>>) dst(%arg9 : memref<64x128xf32, #tpu.memory_space<vmem>>)
      %run_scoped3A = arith.constant 28 : i32
      "tpu.region"() ({
        %run_scoped3A_77 = tpu.sem_alloc : memref<!tpu.dma_semaphore, #tpu.memory_space<semaphore_mem>>
        %dma_start3A_78 = arith.constant 0 : i32
        %dma_start3A_79 = tpu.memref_slice %arg8[%run_scoped3A, %dma_start3A_78] : memref<32x64xi32, #tpu.memory_space<vmem>> -> memref<1x64xi32, #tpu.memory_space<vmem>>
        %dma_start3A_80 = tpu.memref_squeeze %dma_start3A_79 : memref<1x64xi32, #tpu.memory_space<vmem>> -> memref<64xi32, #tpu.memory_space<vmem>>
        %dma_start3A_81 = arith.constant 0 : i32
        %dma_start3A_82 = arith.constant 0 : i32
        %dma_start3A_83 = tpu.memref_slice %arg13[%dma_start3A_81, %dma_start3A_82] : memref<10240x128xf32, #tpu.memory_space<vmem_shared>> -> memref<10240x128xf32, #tpu.memory_space<vmem_shared>>
        tpu.enqueue_indirect_dma source(%arg9 : memref<64x128xf32, #tpu.memory_space<vmem>>) target(%dma_start3A_83 : memref<10240x128xf32, #tpu.memory_space<vmem_shared>>) offsets(%dma_start3A_80 : memref<64xi32, #tpu.memory_space<vmem>>) semaphore(%run_scoped3A_77 : memref<!tpu.dma_semaphore, #tpu.memory_space<semaphore_mem>>) {add = true}
        %dma_wait3A_84 = arith.constant 0 : i32
        %dma_wait3A_85 = tpu.memref_slice %arg8[%run_scoped3A, %dma_wait3A_84] : memref<32x64xi32, #tpu.memory_space<vmem>> -> memref<1x64xi32, #tpu.memory_space<vmem>>
        %dma_wait3A_86 = tpu.memref_squeeze %dma_wait3A_85 : memref<1x64xi32, #tpu.memory_space<vmem>> -> memref<64xi32, #tpu.memory_space<vmem>>
        %dma_wait3A_87 = arith.constant 0 : i32
        %dma_wait3A_88 = arith.constant 0 : i32
        %dma_wait3A_89 = tpu.memref_slice %arg13[%dma_wait3A_87, %dma_wait3A_88] : memref<10240x128xf32, #tpu.memory_space<vmem_shared>> -> memref<10240x128xf32, #tpu.memory_space<vmem_shared>>
        tpu.wait_indirect_dma semaphore(%run_scoped3A_77 : memref<!tpu.dma_semaphore, #tpu.memory_space<semaphore_mem>>) src(%arg9 : memref<64x128xf32, #tpu.memory_space<vmem>>) dst(%dma_wait3A_89 : memref<10240x128xf32, #tpu.memory_space<vmem_shared>>)
        tpu.yield
      }) : () -> ()
      %dma_wait3A_56 = arith.constant 0 : i32
      %dma_wait3A_57 = arith.constant 0 : i32
      %dma_wait3A_58 = tpu.memref_slice %arg4[%dma_wait3A_56, %dma_wait3A_57] : memref<10240x128xf32, #tpu.memory_space<hbm>> -> memref<64x128xf32, #tpu.memory_space<hbm>>
      %dma_wait3A_59 = arith.constant 0 : i32
      %dma_wait3A_60 = arith.constant 0 : i32
      %dma_wait3A_61 = tpu.memref_slice %arg4[%dma_wait3A_59, %dma_wait3A_60] : memref<10240x128xf32, #tpu.memory_space<hbm>> -> memref<64x128xf32, #tpu.memory_space<hbm>>
      tpu.wait_dma2 semaphore(%arg15 : memref<!tpu.dma_semaphore, #tpu.memory_space<semaphore_mem>>) src(%dma_wait3A_61 : memref<64x128xf32, #tpu.memory_space<hbm>>) dst(%arg10 : memref<64x128xf32, #tpu.memory_space<vmem>>)
      %run_scoped3A_62 = arith.constant 29 : i32
      "tpu.region"() ({
        %run_scoped3A_77 = tpu.sem_alloc : memref<!tpu.dma_semaphore, #tpu.memory_space<semaphore_mem>>
        %dma_start3A_78 = arith.constant 0 : i32
        %dma_start3A_79 = tpu.memref_slice %arg8[%run_scoped3A_62, %dma_start3A_78] : memref<32x64xi32, #tpu.memory_space<vmem>> -> memref<1x64xi32, #tpu.memory_space<vmem>>
        %dma_start3A_80 = tpu.memref_squeeze %dma_start3A_79 : memref<1x64xi32, #tpu.memory_space<vmem>> -> memref<64xi32, #tpu.memory_space<vmem>>
        %dma_start3A_81 = arith.constant 0 : i32
        %dma_start3A_82 = arith.constant 0 : i32
        %dma_start3A_83 = tpu.memref_slice %arg13[%dma_start3A_81, %dma_start3A_82] : memref<10240x128xf32, #tpu.memory_space<vmem_shared>> -> memref<10240x128xf32, #tpu.memory_space<vmem_shared>>
        tpu.enqueue_indirect_dma source(%arg10 : memref<64x128xf32, #tpu.memory_space<vmem>>) target(%dma_start3A_83 : memref<10240x128xf32, #tpu.memory_space<vmem_shared>>) offsets(%dma_start3A_80 : memref<64xi32, #tpu.memory_space<vmem>>) semaphore(%run_scoped3A_77 : memref<!tpu.dma_semaphore, #tpu.memory_space<semaphore_mem>>) {add = true}
        %dma_wait3A_84 = arith.constant 0 : i32
        %dma_wait3A_85 = tpu.memref_slice %arg8[%run_scoped3A_62, %dma_wait3A_84] : memref<32x64xi32, #tpu.memory_space<vmem>> -> memref<1x64xi32, #tpu.memory_space<vmem>>
        %dma_wait3A_86 = tpu.memref_squeeze %dma_wait3A_85 : memref<1x64xi32, #tpu.memory_space<vmem>> -> memref<64xi32, #tpu.memory_space<vmem>>
        %dma_wait3A_87 = arith.constant 0 : i32
        %dma_wait3A_88 = arith.constant 0 : i32
        %dma_wait3A_89 = tpu.memref_slice %arg13[%dma_wait3A_87, %dma_wait3A_88] : memref<10240x128xf32, #tpu.memory_space<vmem_shared>> -> memref<10240x128xf32, #tpu.memory_space<vmem_shared>>
        tpu.wait_indirect_dma semaphore(%run_scoped3A_77 : memref<!tpu.dma_semaphore, #tpu.memory_space<semaphore_mem>>) src(%arg10 : memref<64x128xf32, #tpu.memory_space<vmem>>) dst(%dma_wait3A_89 : memref<10240x128xf32, #tpu.memory_space<vmem_shared>>)
        tpu.yield
      }) : () -> ()
      %dma_wait3A_63 = arith.constant 0 : i32
      %dma_wait3A_64 = arith.constant 0 : i32
      %dma_wait3A_65 = tpu.memref_slice %arg4[%dma_wait3A_63, %dma_wait3A_64] : memref<10240x128xf32, #tpu.memory_space<hbm>> -> memref<64x128xf32, #tpu.memory_space<hbm>>
      %dma_wait3A_66 = arith.constant 0 : i32
      %dma_wait3A_67 = arith.constant 0 : i32
      %dma_wait3A_68 = tpu.memref_slice %arg4[%dma_wait3A_66, %dma_wait3A_67] : memref<10240x128xf32, #tpu.memory_space<hbm>> -> memref<64x128xf32, #tpu.memory_space<hbm>>
      tpu.wait_dma2 semaphore(%arg16 : memref<!tpu.dma_semaphore, #tpu.memory_space<semaphore_mem>>) src(%dma_wait3A_68 : memref<64x128xf32, #tpu.memory_space<hbm>>) dst(%arg11 : memref<64x128xf32, #tpu.memory_space<vmem>>)
      %run_scoped3A_69 = arith.constant 30 : i32
      "tpu.region"() ({
        %run_scoped3A_77 = tpu.sem_alloc : memref<!tpu.dma_semaphore, #tpu.memory_space<semaphore_mem>>
        %dma_start3A_78 = arith.constant 0 : i32
        %dma_start3A_79 = tpu.memref_slice %arg8[%run_scoped3A_69, %dma_start3A_78] : memref<32x64xi32, #tpu.memory_space<vmem>> -> memref<1x64xi32, #tpu.memory_space<vmem>>
        %dma_start3A_80 = tpu.memref_squeeze %dma_start3A_79 : memref<1x64xi32, #tpu.memory_space<vmem>> -> memref<64xi32, #tpu.memory_space<vmem>>
        %dma_start3A_81 = arith.constant 0 : i32
        %dma_start3A_82 = arith.constant 0 : i32
        %dma_start3A_83 = tpu.memref_slice %arg13[%dma_start3A_81, %dma_start3A_82] : memref<10240x128xf32, #tpu.memory_space<vmem_shared>> -> memref<10240x128xf32, #tpu.memory_space<vmem_shared>>
        tpu.enqueue_indirect_dma source(%arg11 : memref<64x128xf32, #tpu.memory_space<vmem>>) target(%dma_start3A_83 : memref<10240x128xf32, #tpu.memory_space<vmem_shared>>) offsets(%dma_start3A_80 : memref<64xi32, #tpu.memory_space<vmem>>) semaphore(%run_scoped3A_77 : memref<!tpu.dma_semaphore, #tpu.memory_space<semaphore_mem>>) {add = true}
        %dma_wait3A_84 = arith.constant 0 : i32
        %dma_wait3A_85 = tpu.memref_slice %arg8[%run_scoped3A_69, %dma_wait3A_84] : memref<32x64xi32, #tpu.memory_space<vmem>> -> memref<1x64xi32, #tpu.memory_space<vmem>>
        %dma_wait3A_86 = tpu.memref_squeeze %dma_wait3A_85 : memref<1x64xi32, #tpu.memory_space<vmem>> -> memref<64xi32, #tpu.memory_space<vmem>>
        %dma_wait3A_87 = arith.constant 0 : i32
        %dma_wait3A_88 = arith.constant 0 : i32
        %dma_wait3A_89 = tpu.memref_slice %arg13[%dma_wait3A_87, %dma_wait3A_88] : memref<10240x128xf32, #tpu.memory_space<vmem_shared>> -> memref<10240x128xf32, #tpu.memory_space<vmem_shared>>
        tpu.wait_indirect_dma semaphore(%run_scoped3A_77 : memref<!tpu.dma_semaphore, #tpu.memory_space<semaphore_mem>>) src(%arg11 : memref<64x128xf32, #tpu.memory_space<vmem>>) dst(%dma_wait3A_89 : memref<10240x128xf32, #tpu.memory_space<vmem_shared>>)
        tpu.yield
      }) : () -> ()
      %dma_wait3A_70 = arith.constant 0 : i32
      %dma_wait3A_71 = arith.constant 0 : i32
      %dma_wait3A_72 = tpu.memref_slice %arg4[%dma_wait3A_70, %dma_wait3A_71] : memref<10240x128xf32, #tpu.memory_space<hbm>> -> memref<64x128xf32, #tpu.memory_space<hbm>>
      %dma_wait3A_73 = arith.constant 0 : i32
      %dma_wait3A_74 = arith.constant 0 : i32
      %dma_wait3A_75 = tpu.memref_slice %arg4[%dma_wait3A_73, %dma_wait3A_74] : memref<10240x128xf32, #tpu.memory_space<hbm>> -> memref<64x128xf32, #tpu.memory_space<hbm>>
      tpu.wait_dma2 semaphore(%arg17 : memref<!tpu.dma_semaphore, #tpu.memory_space<semaphore_mem>>) src(%dma_wait3A_75 : memref<64x128xf32, #tpu.memory_space<hbm>>) dst(%arg12 : memref<64x128xf32, #tpu.memory_space<vmem>>)
      %run_scoped3A_76 = arith.constant 31 : i32
      "tpu.region"() ({
        %run_scoped3A_77 = tpu.sem_alloc : memref<!tpu.dma_semaphore, #tpu.memory_space<semaphore_mem>>
        %dma_start3A_78 = arith.constant 0 : i32
        %dma_start3A_79 = tpu.memref_slice %arg8[%run_scoped3A_76, %dma_start3A_78] : memref<32x64xi32, #tpu.memory_space<vmem>> -> memref<1x64xi32, #tpu.memory_space<vmem>>
        %dma_start3A_80 = tpu.memref_squeeze %dma_start3A_79 : memref<1x64xi32, #tpu.memory_space<vmem>> -> memref<64xi32, #tpu.memory_space<vmem>>
        %dma_start3A_81 = arith.constant 0 : i32
        %dma_start3A_82 = arith.constant 0 : i32
        %dma_start3A_83 = tpu.memref_slice %arg13[%dma_start3A_81, %dma_start3A_82] : memref<10240x128xf32, #tpu.memory_space<vmem_shared>> -> memref<10240x128xf32, #tpu.memory_space<vmem_shared>>
        tpu.enqueue_indirect_dma source(%arg12 : memref<64x128xf32, #tpu.memory_space<vmem>>) target(%dma_start3A_83 : memref<10240x128xf32, #tpu.memory_space<vmem_shared>>) offsets(%dma_start3A_80 : memref<64xi32, #tpu.memory_space<vmem>>) semaphore(%run_scoped3A_77 : memref<!tpu.dma_semaphore, #tpu.memory_space<semaphore_mem>>) {add = true}
        %dma_wait3A_84 = arith.constant 0 : i32
        %dma_wait3A_85 = tpu.memref_slice %arg8[%run_scoped3A_76, %dma_wait3A_84] : memref<32x64xi32, #tpu.memory_space<vmem>> -> memref<1x64xi32, #tpu.memory_space<vmem>>
        %dma_wait3A_86 = tpu.memref_squeeze %dma_wait3A_85 : memref<1x64xi32, #tpu.memory_space<vmem>> -> memref<64xi32, #tpu.memory_space<vmem>>
        %dma_wait3A_87 = arith.constant 0 : i32
        %dma_wait3A_88 = arith.constant 0 : i32
        %dma_wait3A_89 = tpu.memref_slice %arg13[%dma_wait3A_87, %dma_wait3A_88] : memref<10240x128xf32, #tpu.memory_space<vmem_shared>> -> memref<10240x128xf32, #tpu.memory_space<vmem_shared>>
        tpu.wait_indirect_dma semaphore(%run_scoped3A_77 : memref<!tpu.dma_semaphore, #tpu.memory_space<semaphore_mem>>) src(%arg12 : memref<64x128xf32, #tpu.memory_space<vmem>>) dst(%dma_wait3A_89 : memref<10240x128xf32, #tpu.memory_space<vmem_shared>>)
        tpu.yield
      }) : () -> ()
    }
    %scan3A_7 = arith.constant 5 : i32
    %barrier3A_8 = arith.constant 0 : index
    tpu.barrier barrier_id(%barrier3A_8)
    %mul3A_9 = arith.constant 640 : i32
    %mul3A_10 = arith.muli %arg1, %mul3A_9 : i32
    %mul3A_11 = arith.constant 640 : i32
    %mul3A_12 = arith.muli %arg1, %mul3A_11 : i32
    "tpu.region"() ({
      %run_scoped3A = tpu.sem_alloc : memref<!tpu.dma_semaphore, #tpu.memory_space<semaphore_mem>>
      %dma_start3A = arith.constant 0 : i32
      %dma_start3A_13 = tpu.memref_slice %arg6[%arg0, %mul3A_12, %dma_start3A] : memref<2x10240x128xf32, #tpu.memory_space<hbm>> -> memref<1x640x128xf32, #tpu.memory_space<hbm>>
      %dma_start3A_14 = tpu.memref_squeeze %dma_start3A_13 : memref<1x640x128xf32, #tpu.memory_space<hbm>> -> memref<640x128xf32, #tpu.memory_space<hbm>>
      %dma_start3A_15 = arith.constant 0 : i32
      %dma_start3A_16 = tpu.memref_slice %arg13[%mul3A_10, %dma_start3A_15] : memref<10240x128xf32, #tpu.memory_space<vmem_shared>> -> memref<640x128xf32, #tpu.memory_space<vmem_shared>>
      tpu.enqueue_dma source(%dma_start3A_16 : memref<640x128xf32, #tpu.memory_space<vmem_shared>>) target(%dma_start3A_14 : memref<640x128xf32, #tpu.memory_space<hbm>>) target_semaphore(%run_scoped3A : memref<!tpu.dma_semaphore, #tpu.memory_space<semaphore_mem>>)
      %dma_wait3A = arith.constant 0 : i32
      %dma_wait3A_17 = tpu.memref_slice %arg6[%arg0, %mul3A_12, %dma_wait3A] : memref<2x10240x128xf32, #tpu.memory_space<hbm>> -> memref<1x640x128xf32, #tpu.memory_space<hbm>>
      %dma_wait3A_18 = tpu.memref_squeeze %dma_wait3A_17 : memref<1x640x128xf32, #tpu.memory_space<hbm>> -> memref<640x128xf32, #tpu.memory_space<hbm>>
      %dma_wait3A_19 = arith.constant 0 : i32
      %dma_wait3A_20 = tpu.memref_slice %arg13[%mul3A_10, %dma_wait3A_19] : memref<10240x128xf32, #tpu.memory_space<vmem_shared>> -> memref<640x128xf32, #tpu.memory_space<vmem_shared>>
      tpu.wait_dma2 semaphore(%run_scoped3A : memref<!tpu.dma_semaphore, #tpu.memory_space<semaphore_mem>>) src(%dma_wait3A_20 : memref<640x128xf32, #tpu.memory_space<vmem_shared>>) dst(%dma_wait3A_18 : memref<640x128xf32, #tpu.memory_space<hbm>>)
      tpu.yield
    }) : () -> ()
    return
  }
}

#map = affine_map<(d0, d1) -> (0, 0, 0)>
#map1 = affine_map<(d0, d1) -> (0, 0)>
module attributes {stable_mosaic.version = 14 : i64} {
  func.func @_sc_deg_body(%arg0: i32, %arg1: i32, %arg2: memref<32x80x128xi32, #tpu.memory_space<hbm>>, %arg3: memref<2x10240xf32, #tpu.memory_space<hbm>>, %arg4: memref<80x128xi32, #tpu.memory_space<vmem>>, %arg5: memref<10240xf32, #tpu.memory_space<vmem>>, %arg6: memref<16x640xf32, #tpu.memory_space<vmem>>, %arg7: memref<16x10240xf32, #tpu.memory_space<vmem_shared>>) attributes {dimension_semantics = [#tpu.dimension_semantics<core_parallel>, #tpu.dimension_semantics<subcore_parallel>], iteration_bounds = array<i64: 2, 16>, scalar_prefetch = 0 : i64, scratch_operands = 4 : i64, tpu.core_type = #tpu.core_type<sc_vector_subcore>, window_params = [{transform_indices = #map}, {transform_indices = #map1}]} {
    %mul3A = arith.constant 16 : i32
    %mul3A_0 = arith.muli %arg0, %mul3A : i32
    %add3A = arith.addi %mul3A_0, %arg1 : i32
    "tpu.region"() ({
      %run_scoped3A_23 = tpu.sem_alloc : memref<!tpu.dma_semaphore, #tpu.memory_space<semaphore_mem>>
      %dma_start3A = arith.constant 0 : i32
      %dma_start3A_24 = arith.constant 0 : i32
      %dma_start3A_25 = tpu.memref_slice %arg2[%add3A, %dma_start3A, %dma_start3A_24] : memref<32x80x128xi32, #tpu.memory_space<hbm>> -> memref<1x80x128xi32, #tpu.memory_space<hbm>>
      %dma_start3A_26 = tpu.memref_squeeze %dma_start3A_25 : memref<1x80x128xi32, #tpu.memory_space<hbm>> -> memref<80x128xi32, #tpu.memory_space<hbm>>
      %dma_start3A_27 = arith.constant 0 : i32
      %dma_start3A_28 = arith.constant 0 : i32
      %dma_start3A_29 = tpu.memref_slice %arg2[%add3A, %dma_start3A_27, %dma_start3A_28] : memref<32x80x128xi32, #tpu.memory_space<hbm>> -> memref<1x80x128xi32, #tpu.memory_space<hbm>>
      %dma_start3A_30 = tpu.memref_squeeze %dma_start3A_29 : memref<1x80x128xi32, #tpu.memory_space<hbm>> -> memref<80x128xi32, #tpu.memory_space<hbm>>
      tpu.enqueue_dma source(%dma_start3A_30 : memref<80x128xi32, #tpu.memory_space<hbm>>) target(%arg4 : memref<80x128xi32, #tpu.memory_space<vmem>>) target_semaphore(%run_scoped3A_23 : memref<!tpu.dma_semaphore, #tpu.memory_space<semaphore_mem>>)
      %dma_wait3A = arith.constant 0 : i32
      %dma_wait3A_31 = arith.constant 0 : i32
      %dma_wait3A_32 = tpu.memref_slice %arg2[%add3A, %dma_wait3A, %dma_wait3A_31] : memref<32x80x128xi32, #tpu.memory_space<hbm>> -> memref<1x80x128xi32, #tpu.memory_space<hbm>>
      %dma_wait3A_33 = tpu.memref_squeeze %dma_wait3A_32 : memref<1x80x128xi32, #tpu.memory_space<hbm>> -> memref<80x128xi32, #tpu.memory_space<hbm>>
      %dma_wait3A_34 = arith.constant 0 : i32
      %dma_wait3A_35 = arith.constant 0 : i32
      %dma_wait3A_36 = tpu.memref_slice %arg2[%add3A, %dma_wait3A_34, %dma_wait3A_35] : memref<32x80x128xi32, #tpu.memory_space<hbm>> -> memref<1x80x128xi32, #tpu.memory_space<hbm>>
      %dma_wait3A_37 = tpu.memref_squeeze %dma_wait3A_36 : memref<1x80x128xi32, #tpu.memory_space<hbm>> -> memref<80x128xi32, #tpu.memory_space<hbm>>
      tpu.wait_dma2 semaphore(%run_scoped3A_23 : memref<!tpu.dma_semaphore, #tpu.memory_space<semaphore_mem>>) src(%dma_wait3A_37 : memref<80x128xi32, #tpu.memory_space<hbm>>) dst(%arg4 : memref<80x128xi32, #tpu.memory_space<vmem>>)
      tpu.yield
    }) : () -> ()
    %scan3A = arith.constant 0 : i32
    %scan3A_1 = arith.constant 0 : i32
    %scan3A_2 = arith.constant 640 : i32
    %scan3A_3 = arith.addi %scan3A_1, %scan3A_2 : i32
    %scan3A_4 = arith.constant 1 : i32
    scf.for %scan3A_23 = %scan3A_1 to %scan3A_3 step %scan3A_4  : i32 {
      %broadcast_in_dim3A_24 = arith.constant 0.000000e+00 : f32
      %broadcast_in_dim3A_25 = vector.broadcast %broadcast_in_dim3A_24 : f32 to vector<16xf32>
      %mul3A_26 = arith.constant 16 : i32
      %mul3A_27 = arith.muli %scan3A_23, %mul3A_26 : i32
      %swap3A = arith.index_cast %mul3A_27 : i32 to index
      %swap3A_28 = tpu.vector_load %arg5[%swap3A] {strides = array<i32>} : memref<10240xf32, #tpu.memory_space<vmem>>, vector<16xf32>,
      tpu.vector_store %arg5[%swap3A], %broadcast_in_dim3A_25 {strides = array<i32>} : memref<10240xf32, #tpu.memory_space<vmem>>, vector<16xf32>,
    }
    %scan3A_5 = arith.constant 640 : i32
    %broadcast_in_dim3A = arith.constant 1.000000e+00 : f32
    %broadcast_in_dim3A_6 = vector.broadcast %broadcast_in_dim3A : f32 to vector<16xf32>
    %scan3A_7 = arith.constant 0 : i32
    %scan3A_8 = arith.constant 0 : i32
    %scan3A_9 = arith.constant 80 : i32
    %scan3A_10 = arith.addi %scan3A_8, %scan3A_9 : i32
    %scan3A_11 = arith.constant 1 : i32
    scf.for %scan3A_23 = %scan3A_8 to %scan3A_10 step %scan3A_11  : i32 {
      %get3A = arith.index_cast %scan3A_23 : i32 to index
      %get3A_24 = arith.constant 0 : index
      %get3A_25 = tpu.vector_load %arg4[%get3A, %get3A_24] {strides = array<i32>} : memref<80x128xi32, #tpu.memory_space<vmem>>, vector<16xi32>,
      tpu.vector_store_idx %arg5[%get3A_25], %broadcast_in_dim3A_6 {add = true} : memref<10240xf32, #tpu.memory_space<vmem>>[vector<16xi32>], vector<16xf32>,
      %get3A_26 = arith.index_cast %scan3A_23 : i32 to index
      %get3A_27 = arith.constant 16 : index
      %get3A_28 = tpu.vector_load %arg4[%get3A_26, %get3A_27] {strides = array<i32>} : memref<80x128xi32, #tpu.memory_space<vmem>>, vector<16xi32>,
      tpu.vector_store_idx %arg5[%get3A_28], %broadcast_in_dim3A_6 {add = true} : memref<10240xf32, #tpu.memory_space<vmem>>[vector<16xi32>], vector<16xf32>,
      %get3A_29 = arith.index_cast %scan3A_23 : i32 to index
      %get3A_30 = arith.constant 32 : index
      %get3A_31 = tpu.vector_load %arg4[%get3A_29, %get3A_30] {strides = array<i32>} : memref<80x128xi32, #tpu.memory_space<vmem>>, vector<16xi32>,
      tpu.vector_store_idx %arg5[%get3A_31], %broadcast_in_dim3A_6 {add = true} : memref<10240xf32, #tpu.memory_space<vmem>>[vector<16xi32>], vector<16xf32>,
      %get3A_32 = arith.index_cast %scan3A_23 : i32 to index
      %get3A_33 = arith.constant 48 : index
      %get3A_34 = tpu.vector_load %arg4[%get3A_32, %get3A_33] {strides = array<i32>} : memref<80x128xi32, #tpu.memory_space<vmem>>, vector<16xi32>,
      tpu.vector_store_idx %arg5[%get3A_34], %broadcast_in_dim3A_6 {add = true} : memref<10240xf32, #tpu.memory_space<vmem>>[vector<16xi32>], vector<16xf32>,
      %get3A_35 = arith.index_cast %scan3A_23 : i32 to index
      %get3A_36 = arith.constant 64 : index
      %get3A_37 = tpu.vector_load %arg4[%get3A_35, %get3A_36] {strides = array<i32>} : memref<80x128xi32, #tpu.memory_space<vmem>>, vector<16xi32>,
      tpu.vector_store_idx %arg5[%get3A_37], %broadcast_in_dim3A_6 {add = true} : memref<10240xf32, #tpu.memory_space<vmem>>[vector<16xi32>], vector<16xf32>,
      %get3A_38 = arith.index_cast %scan3A_23 : i32 to index
      %get3A_39 = arith.constant 80 : index
      %get3A_40 = tpu.vector_load %arg4[%get3A_38, %get3A_39] {strides = array<i32>} : memref<80x128xi32, #tpu.memory_space<vmem>>, vector<16xi32>,
      tpu.vector_store_idx %arg5[%get3A_40], %broadcast_in_dim3A_6 {add = true} : memref<10240xf32, #tpu.memory_space<vmem>>[vector<16xi32>], vector<16xf32>,
      %get3A_41 = arith.index_cast %scan3A_23 : i32 to index
      %get3A_42 = arith.constant 96 : index
      %get3A_43 = tpu.vector_load %arg4[%get3A_41, %get3A_42] {strides = array<i32>} : memref<80x128xi32, #tpu.memory_space<vmem>>, vector<16xi32>,
      tpu.vector_store_idx %arg5[%get3A_43], %broadcast_in_dim3A_6 {add = true} : memref<10240xf32, #tpu.memory_space<vmem>>[vector<16xi32>], vector<16xf32>,
      %get3A_44 = arith.index_cast %scan3A_23 : i32 to index
      %get3A_45 = arith.constant 112 : index
      %get3A_46 = tpu.vector_load %arg4[%get3A_44, %get3A_45] {strides = array<i32>} : memref<80x128xi32, #tpu.memory_space<vmem>>, vector<16xi32>,
      tpu.vector_store_idx %arg5[%get3A_46], %broadcast_in_dim3A_6 {add = true} : memref<10240xf32, #tpu.memory_space<vmem>>[vector<16xi32>], vector<16xf32>,
    }
    %scan3A_12 = arith.constant 80 : i32
    "tpu.region"() ({
      %run_scoped3A_23 = tpu.sem_alloc : memref<!tpu.dma_semaphore, #tpu.memory_space<semaphore_mem>>
      %dma_start3A = arith.constant 0 : i32
      %dma_start3A_24 = tpu.memref_slice %arg7[%arg1, %dma_start3A] : memref<16x10240xf32, #tpu.memory_space<vmem_shared>> -> memref<1x10240xf32, #tpu.memory_space<vmem_shared>>
      %dma_start3A_25 = tpu.memref_squeeze %dma_start3A_24 : memref<1x10240xf32, #tpu.memory_space<vmem_shared>> -> memref<10240xf32, #tpu.memory_space<vmem_shared>>
      %dma_start3A_26 = arith.constant 0 : i32
      %dma_start3A_27 = tpu.memref_slice %arg7[%arg1, %dma_start3A_26] : memref<16x10240xf32, #tpu.memory_space<vmem_shared>> -> memref<1x10240xf32, #tpu.memory_space<vmem_shared>>
      %dma_start3A_28 = tpu.memref_squeeze %dma_start3A_27 : memref<1x10240xf32, #tpu.memory_space<vmem_shared>> -> memref<10240xf32, #tpu.memory_space<vmem_shared>>
      tpu.enqueue_dma source(%arg5 : memref<10240xf32, #tpu.memory_space<vmem>>) target(%dma_start3A_28 : memref<10240xf32, #tpu.memory_space<vmem_shared>>) target_semaphore(%run_scoped3A_23 : memref<!tpu.dma_semaphore, #tpu.memory_space<semaphore_mem>>)
      %dma_wait3A = arith.constant 0 : i32
      %dma_wait3A_29 = tpu.memref_slice %arg7[%arg1, %dma_wait3A] : memref<16x10240xf32, #tpu.memory_space<vmem_shared>> -> memref<1x10240xf32, #tpu.memory_space<vmem_shared>>
      %dma_wait3A_30 = tpu.memref_squeeze %dma_wait3A_29 : memref<1x10240xf32, #tpu.memory_space<vmem_shared>> -> memref<10240xf32, #tpu.memory_space<vmem_shared>>
      %dma_wait3A_31 = arith.constant 0 : i32
      %dma_wait3A_32 = tpu.memref_slice %arg7[%arg1, %dma_wait3A_31] : memref<16x10240xf32, #tpu.memory_space<vmem_shared>> -> memref<1x10240xf32, #tpu.memory_space<vmem_shared>>
      %dma_wait3A_33 = tpu.memref_squeeze %dma_wait3A_32 : memref<1x10240xf32, #tpu.memory_space<vmem_shared>> -> memref<10240xf32, #tpu.memory_space<vmem_shared>>
      tpu.wait_dma2 semaphore(%run_scoped3A_23 : memref<!tpu.dma_semaphore, #tpu.memory_space<semaphore_mem>>) src(%arg5 : memref<10240xf32, #tpu.memory_space<vmem>>) dst(%dma_wait3A_33 : memref<10240xf32, #tpu.memory_space<vmem_shared>>)
      tpu.yield
    }) : () -> ()
    %barrier3A = arith.constant 0 : index
    tpu.barrier barrier_id(%barrier3A)
    %mul3A_13 = arith.constant 640 : i32
    %mul3A_14 = arith.muli %arg1, %mul3A_13 : i32
    "tpu.region"() ({
      %run_scoped3A_23 = tpu.sem_alloc : memref<!tpu.dma_semaphore, #tpu.memory_space<semaphore_mem>>
      %dma_start3A = arith.constant 0 : i32
      %dma_start3A_24 = tpu.memref_slice %arg7[%dma_start3A, %mul3A_14] : memref<16x10240xf32, #tpu.memory_space<vmem_shared>> -> memref<16x640xf32, #tpu.memory_space<vmem_shared>>
      %dma_start3A_25 = arith.constant 0 : i32
      %dma_start3A_26 = tpu.memref_slice %arg7[%dma_start3A_25, %mul3A_14] : memref<16x10240xf32, #tpu.memory_space<vmem_shared>> -> memref<16x640xf32, #tpu.memory_space<vmem_shared>>
      tpu.enqueue_dma source(%dma_start3A_26 : memref<16x640xf32, #tpu.memory_space<vmem_shared>>) target(%arg6 : memref<16x640xf32, #tpu.memory_space<vmem>>) target_semaphore(%run_scoped3A_23 : memref<!tpu.dma_semaphore, #tpu.memory_space<semaphore_mem>>)
      %dma_wait3A = arith.constant 0 : i32
      %dma_wait3A_27 = tpu.memref_slice %arg7[%dma_wait3A, %mul3A_14] : memref<16x10240xf32, #tpu.memory_space<vmem_shared>> -> memref<16x640xf32, #tpu.memory_space<vmem_shared>>
      %dma_wait3A_28 = arith.constant 0 : i32
      %dma_wait3A_29 = tpu.memref_slice %arg7[%dma_wait3A_28, %mul3A_14] : memref<16x10240xf32, #tpu.memory_space<vmem_shared>> -> memref<16x640xf32, #tpu.memory_space<vmem_shared>>
      tpu.wait_dma2 semaphore(%run_scoped3A_23 : memref<!tpu.dma_semaphore, #tpu.memory_space<semaphore_mem>>) src(%dma_wait3A_29 : memref<16x640xf32, #tpu.memory_space<vmem_shared>>) dst(%arg6 : memref<16x640xf32, #tpu.memory_space<vmem>>)
      tpu.yield
    }) : () -> ()
    %scan3A_15 = arith.constant 0 : i32
    %scan3A_16 = arith.constant 1 : i32
    %scan3A_17 = arith.constant 15 : i32
    %scan3A_18 = arith.addi %scan3A_16, %scan3A_17 : i32
    %scan3A_19 = arith.constant 1 : i32
    scf.for %scan3A_23 = %scan3A_16 to %scan3A_18 step %scan3A_19  : i32 {
      %scan3A_24 = arith.constant 0 : i32
      %scan3A_25 = arith.constant 0 : i32
      %scan3A_26 = arith.constant 40 : i32
      %scan3A_27 = arith.addi %scan3A_25, %scan3A_26 : i32
      %scan3A_28 = arith.constant 1 : i32
      scf.for %scan3A_30 = %scan3A_25 to %scan3A_27 step %scan3A_28  : i32 {
        %mul3A_31 = arith.constant 16 : i32
        %mul3A_32 = arith.muli %scan3A_30, %mul3A_31 : i32
        %get3A = arith.constant 0 : i32
        %get3A_33 = arith.index_cast %get3A : i32 to index
        %get3A_34 = arith.index_cast %mul3A_32 : i32 to index
        %get3A_35 = tpu.vector_load %arg6[%get3A_33, %get3A_34] {strides = array<i32>} : memref<16x640xf32, #tpu.memory_space<vmem>>, vector<16xf32>,
        %mul3A_36 = arith.constant 16 : i32
        %mul3A_37 = arith.muli %scan3A_30, %mul3A_36 : i32
        %get3A_38 = arith.index_cast %scan3A_23 : i32 to index
        %get3A_39 = arith.index_cast %mul3A_37 : i32 to index
        %get3A_40 = tpu.vector_load %arg6[%get3A_38, %get3A_39] {strides = array<i32>} : memref<16x640xf32, #tpu.memory_space<vmem>>, vector<16xf32>,
        %add3A_41 = arith.addf %get3A_35, %get3A_40 : vector<16xf32>
        %mul3A_42 = arith.constant 16 : i32
        %mul3A_43 = arith.muli %scan3A_30, %mul3A_42 : i32
        %swap3A = arith.constant 0 : i32
        %swap3A_44 = arith.index_cast %swap3A : i32 to index
        %swap3A_45 = arith.index_cast %mul3A_43 : i32 to index
        %swap3A_46 = tpu.vector_load %arg6[%swap3A_44, %swap3A_45] {strides = array<i32>} : memref<16x640xf32, #tpu.memory_space<vmem>>, vector<16xf32>,
        tpu.vector_store %arg6[%swap3A_44, %swap3A_45], %add3A_41 {strides = array<i32>} : memref<16x640xf32, #tpu.memory_space<vmem>>, vector<16xf32>,
      }
      %scan3A_29 = arith.constant 40 : i32
    }
    %scan3A_20 = arith.constant 15 : i32
    %mul3A_21 = arith.constant 640 : i32
    %mul3A_22 = arith.muli %arg1, %mul3A_21 : i32
    %run_scoped3A = arith.constant 0 : i32
    "tpu.region"() ({
      %run_scoped3A_23 = tpu.sem_alloc : memref<!tpu.dma_semaphore, #tpu.memory_space<semaphore_mem>>
      %dma_start3A = arith.constant 0 : i32
      %dma_start3A_24 = tpu.memref_slice %arg6[%run_scoped3A, %dma_start3A] : memref<16x640xf32, #tpu.memory_space<vmem>> -> memref<1x640xf32, #tpu.memory_space<vmem>>
      %dma_start3A_25 = tpu.memref_squeeze %dma_start3A_24 : memref<1x640xf32, #tpu.memory_space<vmem>> -> memref<640xf32, #tpu.memory_space<vmem>>
      %dma_start3A_26 = tpu.memref_slice %arg3[%arg0, %mul3A_22] : memref<2x10240xf32, #tpu.memory_space<hbm>> -> memref<1x640xf32, #tpu.memory_space<hbm>>
      %dma_start3A_27 = tpu.memref_squeeze %dma_start3A_26 : memref<1x640xf32, #tpu.memory_space<hbm>> -> memref<640xf32, #tpu.memory_space<hbm>>
      %dma_start3A_28 = tpu.memref_slice %arg3[%arg0, %mul3A_22] : memref<2x10240xf32, #tpu.memory_space<hbm>> -> memref<1x640xf32, #tpu.memory_space<hbm>>
      %dma_start3A_29 = tpu.memref_squeeze %dma_start3A_28 : memref<1x640xf32, #tpu.memory_space<hbm>> -> memref<640xf32, #tpu.memory_space<hbm>>
      %dma_start3A_30 = arith.constant 0 : i32
      %dma_start3A_31 = tpu.memref_slice %arg6[%run_scoped3A, %dma_start3A_30] : memref<16x640xf32, #tpu.memory_space<vmem>> -> memref<1x640xf32, #tpu.memory_space<vmem>>
      %dma_start3A_32 = tpu.memref_squeeze %dma_start3A_31 : memref<1x640xf32, #tpu.memory_space<vmem>> -> memref<640xf32, #tpu.memory_space<vmem>>
      tpu.enqueue_dma source(%dma_start3A_32 : memref<640xf32, #tpu.memory_space<vmem>>) target(%dma_start3A_29 : memref<640xf32, #tpu.memory_space<hbm>>) target_semaphore(%run_scoped3A_23 : memref<!tpu.dma_semaphore, #tpu.memory_space<semaphore_mem>>)
      %dma_wait3A = arith.constant 0 : i32
      %dma_wait3A_33 = tpu.memref_slice %arg6[%run_scoped3A, %dma_wait3A] : memref<16x640xf32, #tpu.memory_space<vmem>> -> memref<1x640xf32, #tpu.memory_space<vmem>>
      %dma_wait3A_34 = tpu.memref_squeeze %dma_wait3A_33 : memref<1x640xf32, #tpu.memory_space<vmem>> -> memref<640xf32, #tpu.memory_space<vmem>>
      %dma_wait3A_35 = tpu.memref_slice %arg3[%arg0, %mul3A_22] : memref<2x10240xf32, #tpu.memory_space<hbm>> -> memref<1x640xf32, #tpu.memory_space<hbm>>
      %dma_wait3A_36 = tpu.memref_squeeze %dma_wait3A_35 : memref<1x640xf32, #tpu.memory_space<hbm>> -> memref<640xf32, #tpu.memory_space<hbm>>
      %dma_wait3A_37 = tpu.memref_slice %arg3[%arg0, %mul3A_22] : memref<2x10240xf32, #tpu.memory_space<hbm>> -> memref<1x640xf32, #tpu.memory_space<hbm>>
      %dma_wait3A_38 = tpu.memref_squeeze %dma_wait3A_37 : memref<1x640xf32, #tpu.memory_space<hbm>> -> memref<640xf32, #tpu.memory_space<hbm>>
      %dma_wait3A_39 = arith.constant 0 : i32
      %dma_wait3A_40 = tpu.memref_slice %arg6[%run_scoped3A, %dma_wait3A_39] : memref<16x640xf32, #tpu.memory_space<vmem>> -> memref<1x640xf32, #tpu.memory_space<vmem>>
      %dma_wait3A_41 = tpu.memref_squeeze %dma_wait3A_40 : memref<1x640xf32, #tpu.memory_space<vmem>> -> memref<640xf32, #tpu.memory_space<vmem>>
      tpu.wait_dma2 semaphore(%run_scoped3A_23 : memref<!tpu.dma_semaphore, #tpu.memory_space<semaphore_mem>>) src(%dma_wait3A_41 : memref<640xf32, #tpu.memory_space<vmem>>) dst(%dma_wait3A_38 : memref<640xf32, #tpu.memory_space<hbm>>)
      tpu.yield
    }) : () -> ()
    return
  }
}

#map = affine_map<(d0, d1) -> (0, 0, 0)>
#map1 = affine_map<(d0, d1) -> (0, 0)>
module attributes {stable_mosaic.version = 14 : i64} {
  func.func @_sc_scatter_body(%arg0: i32, %arg1: i32, %arg2: memref<32x160x64xi32, #tpu.memory_space<hbm>>, %arg3: memref<32x160x64xi32, #tpu.memory_space<hbm>>, %arg4: memref<10240x128xf32, #tpu.memory_space<hbm>>, %arg5: memref<640x128xf32, #tpu.memory_space<hbm>>, %arg6: memref<2x10240x128xf32, #tpu.memory_space<hbm>>, %arg7: memref<32x64xi32, #tpu.memory_space<vmem>>, %arg8: memref<32x64xi32, #tpu.memory_space<vmem>>, %arg9: memref<64x128xf32, #tpu.memory_space<vmem>>, %arg10: memref<64x128xf32, #tpu.memory_space<vmem>>, %arg11: memref<64x128xf32, #tpu.memory_space<vmem>>, %arg12: memref<64x128xf32, #tpu.memory_space<vmem>>, %arg13: memref<10240x128xf32, #tpu.memory_space<vmem_shared>>, %arg14: memref<!tpu.dma_semaphore, #tpu.memory_space<semaphore_mem>>, %arg15: memref<!tpu.dma_semaphore, #tpu.memory_space<semaphore_mem>>, %arg16: memref<!tpu.dma_semaphore, #tpu.memory_space<semaphore_mem>>, %arg17: memref<!tpu.dma_semaphore, #tpu.memory_space<semaphore_mem>>) attributes {dimension_semantics = [#tpu.dimension_semantics<core_parallel>, #tpu.dimension_semantics<subcore_parallel>], iteration_bounds = array<i64: 2, 16>, scalar_prefetch = 0 : i64, scratch_operands = 11 : i64, tpu.core_type = #tpu.core_type<sc_vector_subcore>, window_params = [{transform_indices = #map}, {transform_indices = #map}, {transform_indices = #map1}, {transform_indices = #map1}, {transform_indices = #map}]} {
    %mul3A = arith.constant 16 : i32
    %mul3A_0 = arith.muli %arg0, %mul3A : i32
    %add3A = arith.addi %mul3A_0, %arg1 : i32
    %mul3A_1 = arith.constant 640 : i32
    %mul3A_2 = arith.muli %arg1, %mul3A_1 : i32
    "tpu.region"() ({
      %run_scoped3A = tpu.sem_alloc : memref<!tpu.dma_semaphore, #tpu.memory_space<semaphore_mem>>
      %dma_start3A = arith.constant 0 : i32
      %dma_start3A_13 = tpu.memref_slice %arg13[%mul3A_2, %dma_start3A] : memref<10240x128xf32, #tpu.memory_space<vmem_shared>> -> memref<640x128xf32, #tpu.memory_space<vmem_shared>>
      tpu.enqueue_dma source(%arg5 : memref<640x128xf32, #tpu.memory_space<hbm>>) target(%dma_start3A_13 : memref<640x128xf32, #tpu.memory_space<vmem_shared>>) target_semaphore(%run_scoped3A : memref<!tpu.dma_semaphore, #tpu.memory_space<semaphore_mem>>)
      %dma_wait3A = arith.constant 0 : i32
      %dma_wait3A_14 = tpu.memref_slice %arg13[%mul3A_2, %dma_wait3A] : memref<10240x128xf32, #tpu.memory_space<vmem_shared>> -> memref<640x128xf32, #tpu.memory_space<vmem_shared>>
      tpu.wait_dma2 semaphore(%run_scoped3A : memref<!tpu.dma_semaphore, #tpu.memory_space<semaphore_mem>>) src(%arg5 : memref<640x128xf32, #tpu.memory_space<hbm>>) dst(%dma_wait3A_14 : memref<640x128xf32, #tpu.memory_space<vmem_shared>>)
      tpu.yield
    }) : () -> ()
    %barrier3A = arith.constant 0 : index
    tpu.barrier barrier_id(%barrier3A)
    %scan3A = arith.constant 0 : i32
    %scan3A_3 = arith.constant 0 : i32
    %scan3A_4 = arith.constant 5 : i32
    %scan3A_5 = arith.addi %scan3A_3, %scan3A_4 : i32
    %scan3A_6 = arith.constant 1 : i32
    scf.for %scan3A_13 = %scan3A_3 to %scan3A_5 step %scan3A_6  : i32 {
      %mul3A_14 = arith.constant 32 : i32
      %mul3A_15 = arith.muli %scan3A_13, %mul3A_14 : i32
      "tpu.region"() ({
        %run_scoped3A_77 = tpu.sem_alloc : memref<!tpu.dma_semaphore, #tpu.memory_space<semaphore_mem>>
        %dma_start3A_78 = arith.constant 0 : i32
        %dma_start3A_79 = tpu.memref_slice %arg2[%add3A, %mul3A_15, %dma_start3A_78] : memref<32x160x64xi32, #tpu.memory_space<hbm>> -> memref<1x32x64xi32, #tpu.memory_space<hbm>>
        %dma_start3A_80 = tpu.memref_squeeze %dma_start3A_79 : memref<1x32x64xi32, #tpu.memory_space<hbm>> -> memref<32x64xi32, #tpu.memory_space<hbm>>
        %dma_start3A_81 = arith.constant 0 : i32
        %dma_start3A_82 = tpu.memref_slice %arg2[%add3A, %mul3A_15, %dma_start3A_81] : memref<32x160x64xi32, #tpu.memory_space<hbm>> -> memref<1x32x64xi32, #tpu.memory_space<hbm>>
        %dma_start3A_83 = tpu.memref_squeeze %dma_start3A_82 : memref<1x32x64xi32, #tpu.memory_space<hbm>> -> memref<32x64xi32, #tpu.memory_space<hbm>>
        tpu.enqueue_dma source(%dma_start3A_83 : memref<32x64xi32, #tpu.memory_space<hbm>>) target(%arg7 : memref<32x64xi32, #tpu.memory_space<vmem>>) target_semaphore(%run_scoped3A_77 : memref<!tpu.dma_semaphore, #tpu.memory_space<semaphore_mem>>)
        %dma_wait3A_84 = arith.constant 0 : i32
        %dma_wait3A_85 = tpu.memref_slice %arg2[%add3A, %mul3A_15, %dma_wait3A_84] : memref<32x160x64xi32, #tpu.memory_space<hbm>> -> memref<1x32x64xi32, #tpu.memory_space<hbm>>
        %dma_wait3A_86 = tpu.memref_squeeze %dma_wait3A_85 : memref<1x32x64xi32, #tpu.memory_space<hbm>> -> memref<32x64xi32, #tpu.memory_space<hbm>>
        %dma_wait3A_87 = arith.constant 0 : i32
        %dma_wait3A_88 = tpu.memref_slice %arg2[%add3A, %mul3A_15, %dma_wait3A_87] : memref<32x160x64xi32, #tpu.memory_space<hbm>> -> memref<1x32x64xi32, #tpu.memory_space<hbm>>
        %dma_wait3A_89 = tpu.memref_squeeze %dma_wait3A_88 : memref<1x32x64xi32, #tpu.memory_space<hbm>> -> memref<32x64xi32, #tpu.memory_space<hbm>>
        tpu.wait_dma2 semaphore(%run_scoped3A_77 : memref<!tpu.dma_semaphore, #tpu.memory_space<semaphore_mem>>) src(%dma_wait3A_89 : memref<32x64xi32, #tpu.memory_space<hbm>>) dst(%arg7 : memref<32x64xi32, #tpu.memory_space<vmem>>)
        tpu.yield
      }) : () -> ()
      %mul3A_16 = arith.constant 32 : i32
      %mul3A_17 = arith.muli %scan3A_13, %mul3A_16 : i32
      "tpu.region"() ({
        %run_scoped3A_77 = tpu.sem_alloc : memref<!tpu.dma_semaphore, #tpu.memory_space<semaphore_mem>>
        %dma_start3A_78 = arith.constant 0 : i32
        %dma_start3A_79 = tpu.memref_slice %arg3[%add3A, %mul3A_17, %dma_start3A_78] : memref<32x160x64xi32, #tpu.memory_space<hbm>> -> memref<1x32x64xi32, #tpu.memory_space<hbm>>
        %dma_start3A_80 = tpu.memref_squeeze %dma_start3A_79 : memref<1x32x64xi32, #tpu.memory_space<hbm>> -> memref<32x64xi32, #tpu.memory_space<hbm>>
        %dma_start3A_81 = arith.constant 0 : i32
        %dma_start3A_82 = tpu.memref_slice %arg3[%add3A, %mul3A_17, %dma_start3A_81] : memref<32x160x64xi32, #tpu.memory_space<hbm>> -> memref<1x32x64xi32, #tpu.memory_space<hbm>>
        %dma_start3A_83 = tpu.memref_squeeze %dma_start3A_82 : memref<1x32x64xi32, #tpu.memory_space<hbm>> -> memref<32x64xi32, #tpu.memory_space<hbm>>
        tpu.enqueue_dma source(%dma_start3A_83 : memref<32x64xi32, #tpu.memory_space<hbm>>) target(%arg8 : memref<32x64xi32, #tpu.memory_space<vmem>>) target_semaphore(%run_scoped3A_77 : memref<!tpu.dma_semaphore, #tpu.memory_space<semaphore_mem>>)
        %dma_wait3A_84 = arith.constant 0 : i32
        %dma_wait3A_85 = tpu.memref_slice %arg3[%add3A, %mul3A_17, %dma_wait3A_84] : memref<32x160x64xi32, #tpu.memory_space<hbm>> -> memref<1x32x64xi32, #tpu.memory_space<hbm>>
        %dma_wait3A_86 = tpu.memref_squeeze %dma_wait3A_85 : memref<1x32x64xi32, #tpu.memory_space<hbm>> -> memref<32x64xi32, #tpu.memory_space<hbm>>
        %dma_wait3A_87 = arith.constant 0 : i32
        %dma_wait3A_88 = tpu.memref_slice %arg3[%add3A, %mul3A_17, %dma_wait3A_87] : memref<32x160x64xi32, #tpu.memory_space<hbm>> -> memref<1x32x64xi32, #tpu.memory_space<hbm>>
        %dma_wait3A_89 = tpu.memref_squeeze %dma_wait3A_88 : memref<1x32x64xi32, #tpu.memory_space<hbm>> -> memref<32x64xi32, #tpu.memory_space<hbm>>
        tpu.wait_dma2 semaphore(%run_scoped3A_77 : memref<!tpu.dma_semaphore, #tpu.memory_space<semaphore_mem>>) src(%dma_wait3A_89 : memref<32x64xi32, #tpu.memory_space<hbm>>) dst(%arg8 : memref<32x64xi32, #tpu.memory_space<vmem>>)
        tpu.yield
      }) : () -> ()
      %dma_start3A = arith.constant 0 : i32
      %dma_start3A_18 = arith.constant 0 : i32
      %dma_start3A_19 = tpu.memref_slice %arg7[%dma_start3A, %dma_start3A_18] : memref<32x64xi32, #tpu.memory_space<vmem>> -> memref<1x64xi32, #tpu.memory_space<vmem>>
      %dma_start3A_20 = tpu.memref_squeeze %dma_start3A_19 : memref<1x64xi32, #tpu.memory_space<vmem>> -> memref<64xi32, #tpu.memory_space<vmem>>
      %dma_start3A_21 = arith.constant 0 : i32
      %dma_start3A_22 = arith.constant 0 : i32
      %dma_start3A_23 = tpu.memref_slice %arg4[%dma_start3A_21, %dma_start3A_22] : memref<10240x128xf32, #tpu.memory_space<hbm>> -> memref<10240x128xf32, #tpu.memory_space<hbm>>
      tpu.enqueue_indirect_dma source(%dma_start3A_23 : memref<10240x128xf32, #tpu.memory_space<hbm>>) target(%arg9 : memref<64x128xf32, #tpu.memory_space<vmem>>) offsets(%dma_start3A_20 : memref<64xi32, #tpu.memory_space<vmem>>) semaphore(%arg14 : memref<!tpu.dma_semaphore, #tpu.memory_space<semaphore_mem>>)
      %dma_start3A_24 = arith.constant 1 : i32
      %dma_start3A_25 = arith.constant 0 : i32
      %dma_start3A_26 = tpu.memref_slice %arg7[%dma_start3A_24, %dma_start3A_25] : memref<32x64xi32, #tpu.memory_space<vmem>> -> memref<1x64xi32, #tpu.memory_space<vmem>>
      %dma_start3A_27 = tpu.memref_squeeze %dma_start3A_26 : memref<1x64xi32, #tpu.memory_space<vmem>> -> memref<64xi32, #tpu.memory_space<vmem>>
      %dma_start3A_28 = arith.constant 0 : i32
      %dma_start3A_29 = arith.constant 0 : i32
      %dma_start3A_30 = tpu.memref_slice %arg4[%dma_start3A_28, %dma_start3A_29] : memref<10240x128xf32, #tpu.memory_space<hbm>> -> memref<10240x128xf32, #tpu.memory_space<hbm>>
      tpu.enqueue_indirect_dma source(%dma_start3A_30 : memref<10240x128xf32, #tpu.memory_space<hbm>>) target(%arg10 : memref<64x128xf32, #tpu.memory_space<vmem>>) offsets(%dma_start3A_27 : memref<64xi32, #tpu.memory_space<vmem>>) semaphore(%arg15 : memref<!tpu.dma_semaphore, #tpu.memory_space<semaphore_mem>>)
      %dma_start3A_31 = arith.constant 2 : i32
      %dma_start3A_32 = arith.constant 0 : i32
      %dma_start3A_33 = tpu.memref_slice %arg7[%dma_start3A_31, %dma_start3A_32] : memref<32x64xi32, #tpu.memory_space<vmem>> -> memref<1x64xi32, #tpu.memory_space<vmem>>
      %dma_start3A_34 = tpu.memref_squeeze %dma_start3A_33 : memref<1x64xi32, #tpu.memory_space<vmem>> -> memref<64xi32, #tpu.memory_space<vmem>>
      %dma_start3A_35 = arith.constant 0 : i32
      %dma_start3A_36 = arith.constant 0 : i32
      %dma_start3A_37 = tpu.memref_slice %arg4[%dma_start3A_35, %dma_start3A_36] : memref<10240x128xf32, #tpu.memory_space<hbm>> -> memref<10240x128xf32, #tpu.memory_space<hbm>>
      tpu.enqueue_indirect_dma source(%dma_start3A_37 : memref<10240x128xf32, #tpu.memory_space<hbm>>) target(%arg11 : memref<64x128xf32, #tpu.memory_space<vmem>>) offsets(%dma_start3A_34 : memref<64xi32, #tpu.memory_space<vmem>>) semaphore(%arg16 : memref<!tpu.dma_semaphore, #tpu.memory_space<semaphore_mem>>)
      %dma_start3A_38 = arith.constant 3 : i32
      %dma_start3A_39 = arith.constant 0 : i32
      %dma_start3A_40 = tpu.memref_slice %arg7[%dma_start3A_38, %dma_start3A_39] : memref<32x64xi32, #tpu.memory_space<vmem>> -> memref<1x64xi32, #tpu.memory_space<vmem>>
      %dma_start3A_41 = tpu.memref_squeeze %dma_start3A_40 : memref<1x64xi32, #tpu.memory_space<vmem>> -> memref<64xi32, #tpu.memory_space<vmem>>
      %dma_start3A_42 = arith.constant 0 : i32
      %dma_start3A_43 = arith.constant 0 : i32
      %dma_start3A_44 = tpu.memref_slice %arg4[%dma_start3A_42, %dma_start3A_43] : memref<10240x128xf32, #tpu.memory_space<hbm>> -> memref<10240x128xf32, #tpu.memory_space<hbm>>
      tpu.enqueue_indirect_dma source(%dma_start3A_44 : memref<10240x128xf32, #tpu.memory_space<hbm>>) target(%arg12 : memref<64x128xf32, #tpu.memory_space<vmem>>) offsets(%dma_start3A_41 : memref<64xi32, #tpu.memory_space<vmem>>) semaphore(%arg17 : memref<!tpu.dma_semaphore, #tpu.memory_space<semaphore_mem>>)
      %scan3A_45 = arith.constant 0 : i32
      %scan3A_46 = arith.constant 0 : i32
      %scan3A_47 = arith.constant 7 : i32
      %scan3A_48 = arith.addi %scan3A_46, %scan3A_47 : i32
      %scan3A_49 = arith.constant 1 : i32
      scf.for %scan3A_77 = %scan3A_46 to %scan3A_48 step %scan3A_49  : i32 {
        %mul3A_78 = arith.constant 4 : i32
        %mul3A_79 = arith.muli %scan3A_77, %mul3A_78 : i32
        %dma_wait3A_80 = arith.constant 0 : i32
        %dma_wait3A_81 = arith.constant 0 : i32
        %dma_wait3A_82 = tpu.memref_slice %arg4[%dma_wait3A_80, %dma_wait3A_81] : memref<10240x128xf32, #tpu.memory_space<hbm>> -> memref<64x128xf32, #tpu.memory_space<hbm>>
        %dma_wait3A_83 = arith.constant 0 : i32
        %dma_wait3A_84 = arith.constant 0 : i32
        %dma_wait3A_85 = tpu.memref_slice %arg4[%dma_wait3A_83, %dma_wait3A_84] : memref<10240x128xf32, #tpu.memory_space<hbm>> -> memref<64x128xf32, #tpu.memory_space<hbm>>
        tpu.wait_dma2 semaphore(%arg14 : memref<!tpu.dma_semaphore, #tpu.memory_space<semaphore_mem>>) src(%dma_wait3A_85 : memref<64x128xf32, #tpu.memory_space<hbm>>) dst(%arg9 : memref<64x128xf32, #tpu.memory_space<vmem>>)
        %add3A_86 = arith.constant 0 : i32
        %add3A_87 = arith.addi %mul3A_79, %add3A_86 : i32
        "tpu.region"() ({
          %run_scoped3A_152 = tpu.sem_alloc : memref<!tpu.dma_semaphore, #tpu.memory_space<semaphore_mem>>
          %dma_start3A_153 = arith.constant 0 : i32
          %dma_start3A_154 = tpu.memref_slice %arg8[%add3A_87, %dma_start3A_153] : memref<32x64xi32, #tpu.memory_space<vmem>> -> memref<1x64xi32, #tpu.memory_space<vmem>>
          %dma_start3A_155 = tpu.memref_squeeze %dma_start3A_154 : memref<1x64xi32, #tpu.memory_space<vmem>> -> memref<64xi32, #tpu.memory_space<vmem>>
          %dma_start3A_156 = arith.constant 0 : i32
          %dma_start3A_157 = arith.constant 0 : i32
          %dma_start3A_158 = tpu.memref_slice %arg13[%dma_start3A_156, %dma_start3A_157] : memref<10240x128xf32, #tpu.memory_space<vmem_shared>> -> memref<10240x128xf32, #tpu.memory_space<vmem_shared>>
          tpu.enqueue_indirect_dma source(%arg9 : memref<64x128xf32, #tpu.memory_space<vmem>>) target(%dma_start3A_158 : memref<10240x128xf32, #tpu.memory_space<vmem_shared>>) offsets(%dma_start3A_155 : memref<64xi32, #tpu.memory_space<vmem>>) semaphore(%run_scoped3A_152 : memref<!tpu.dma_semaphore, #tpu.memory_space<semaphore_mem>>) {add = true}
          %dma_wait3A_159 = arith.constant 0 : i32
          %dma_wait3A_160 = tpu.memref_slice %arg8[%add3A_87, %dma_wait3A_159] : memref<32x64xi32, #tpu.memory_space<vmem>> -> memref<1x64xi32, #tpu.memory_space<vmem>>
          %dma_wait3A_161 = tpu.memref_squeeze %dma_wait3A_160 : memref<1x64xi32, #tpu.memory_space<vmem>> -> memref<64xi32, #tpu.memory_space<vmem>>
          %dma_wait3A_162 = arith.constant 0 : i32
          %dma_wait3A_163 = arith.constant 0 : i32
          %dma_wait3A_164 = tpu.memref_slice %arg13[%dma_wait3A_162, %dma_wait3A_163] : memref<10240x128xf32, #tpu.memory_space<vmem_shared>> -> memref<10240x128xf32, #tpu.memory_space<vmem_shared>>
          tpu.wait_indirect_dma semaphore(%run_scoped3A_152 : memref<!tpu.dma_semaphore, #tpu.memory_space<semaphore_mem>>) src(%arg9 : memref<64x128xf32, #tpu.memory_space<vmem>>) dst(%dma_wait3A_164 : memref<10240x128xf32, #tpu.memory_space<vmem_shared>>)
          tpu.yield
        }) : () -> ()
        %add3A_88 = arith.constant 4 : i32
        %add3A_89 = arith.addi %mul3A_79, %add3A_88 : i32
        %add3A_90 = arith.constant 0 : i32
        %add3A_91 = arith.addi %add3A_89, %add3A_90 : i32
        %dma_start3A_92 = arith.constant 0 : i32
        %dma_start3A_93 = tpu.memref_slice %arg7[%add3A_91, %dma_start3A_92] : memref<32x64xi32, #tpu.memory_space<vmem>> -> memref<1x64xi32, #tpu.memory_space<vmem>>
        %dma_start3A_94 = tpu.memref_squeeze %dma_start3A_93 : memref<1x64xi32, #tpu.memory_space<vmem>> -> memref<64xi32, #tpu.memory_space<vmem>>
        %dma_start3A_95 = arith.constant 0 : i32
        %dma_start3A_96 = arith.constant 0 : i32
        %dma_start3A_97 = tpu.memref_slice %arg4[%dma_start3A_95, %dma_start3A_96] : memref<10240x128xf32, #tpu.memory_space<hbm>> -> memref<10240x128xf32, #tpu.memory_space<hbm>>
        tpu.enqueue_indirect_dma source(%dma_start3A_97 : memref<10240x128xf32, #tpu.memory_space<hbm>>) target(%arg9 : memref<64x128xf32, #tpu.memory_space<vmem>>) offsets(%dma_start3A_94 : memref<64xi32, #tpu.memory_space<vmem>>) semaphore(%arg14 : memref<!tpu.dma_semaphore, #tpu.memory_space<semaphore_mem>>)
        %dma_wait3A_98 = arith.constant 0 : i32
        %dma_wait3A_99 = arith.constant 0 : i32
        %dma_wait3A_100 = tpu.memref_slice %arg4[%dma_wait3A_98, %dma_wait3A_99] : memref<10240x128xf32, #tpu.memory_space<hbm>> -> memref<64x128xf32, #tpu.memory_space<hbm>>
        %dma_wait3A_101 = arith.constant 0 : i32
        %dma_wait3A_102 = arith.constant 0 : i32
        %dma_wait3A_103 = tpu.memref_slice %arg4[%dma_wait3A_101, %dma_wait3A_102] : memref<10240x128xf32, #tpu.memory_space<hbm>> -> memref<64x128xf32, #tpu.memory_space<hbm>>
        tpu.wait_dma2 semaphore(%arg15 : memref<!tpu.dma_semaphore, #tpu.memory_space<semaphore_mem>>) src(%dma_wait3A_103 : memref<64x128xf32, #tpu.memory_space<hbm>>) dst(%arg10 : memref<64x128xf32, #tpu.memory_space<vmem>>)
        %add3A_104 = arith.constant 1 : i32
        %add3A_105 = arith.addi %mul3A_79, %add3A_104 : i32
        "tpu.region"() ({
          %run_scoped3A_152 = tpu.sem_alloc : memref<!tpu.dma_semaphore, #tpu.memory_space<semaphore_mem>>
          %dma_start3A_153 = arith.constant 0 : i32
          %dma_start3A_154 = tpu.memref_slice %arg8[%add3A_105, %dma_start3A_153] : memref<32x64xi32, #tpu.memory_space<vmem>> -> memref<1x64xi32, #tpu.memory_space<vmem>>
          %dma_start3A_155 = tpu.memref_squeeze %dma_start3A_154 : memref<1x64xi32, #tpu.memory_space<vmem>> -> memref<64xi32, #tpu.memory_space<vmem>>
          %dma_start3A_156 = arith.constant 0 : i32
          %dma_start3A_157 = arith.constant 0 : i32
          %dma_start3A_158 = tpu.memref_slice %arg13[%dma_start3A_156, %dma_start3A_157] : memref<10240x128xf32, #tpu.memory_space<vmem_shared>> -> memref<10240x128xf32, #tpu.memory_space<vmem_shared>>
          tpu.enqueue_indirect_dma source(%arg10 : memref<64x128xf32, #tpu.memory_space<vmem>>) target(%dma_start3A_158 : memref<10240x128xf32, #tpu.memory_space<vmem_shared>>) offsets(%dma_start3A_155 : memref<64xi32, #tpu.memory_space<vmem>>) semaphore(%run_scoped3A_152 : memref<!tpu.dma_semaphore, #tpu.memory_space<semaphore_mem>>) {add = true}
          %dma_wait3A_159 = arith.constant 0 : i32
          %dma_wait3A_160 = tpu.memref_slice %arg8[%add3A_105, %dma_wait3A_159] : memref<32x64xi32, #tpu.memory_space<vmem>> -> memref<1x64xi32, #tpu.memory_space<vmem>>
          %dma_wait3A_161 = tpu.memref_squeeze %dma_wait3A_160 : memref<1x64xi32, #tpu.memory_space<vmem>> -> memref<64xi32, #tpu.memory_space<vmem>>
          %dma_wait3A_162 = arith.constant 0 : i32
          %dma_wait3A_163 = arith.constant 0 : i32
          %dma_wait3A_164 = tpu.memref_slice %arg13[%dma_wait3A_162, %dma_wait3A_163] : memref<10240x128xf32, #tpu.memory_space<vmem_shared>> -> memref<10240x128xf32, #tpu.memory_space<vmem_shared>>
          tpu.wait_indirect_dma semaphore(%run_scoped3A_152 : memref<!tpu.dma_semaphore, #tpu.memory_space<semaphore_mem>>) src(%arg10 : memref<64x128xf32, #tpu.memory_space<vmem>>) dst(%dma_wait3A_164 : memref<10240x128xf32, #tpu.memory_space<vmem_shared>>)
          tpu.yield
        }) : () -> ()
        %add3A_106 = arith.constant 4 : i32
        %add3A_107 = arith.addi %mul3A_79, %add3A_106 : i32
        %add3A_108 = arith.constant 1 : i32
        %add3A_109 = arith.addi %add3A_107, %add3A_108 : i32
        %dma_start3A_110 = arith.constant 0 : i32
        %dma_start3A_111 = tpu.memref_slice %arg7[%add3A_109, %dma_start3A_110] : memref<32x64xi32, #tpu.memory_space<vmem>> -> memref<1x64xi32, #tpu.memory_space<vmem>>
        %dma_start3A_112 = tpu.memref_squeeze %dma_start3A_111 : memref<1x64xi32, #tpu.memory_space<vmem>> -> memref<64xi32, #tpu.memory_space<vmem>>
        %dma_start3A_113 = arith.constant 0 : i32
        %dma_start3A_114 = arith.constant 0 : i32
        %dma_start3A_115 = tpu.memref_slice %arg4[%dma_start3A_113, %dma_start3A_114] : memref<10240x128xf32, #tpu.memory_space<hbm>> -> memref<10240x128xf32, #tpu.memory_space<hbm>>
        tpu.enqueue_indirect_dma source(%dma_start3A_115 : memref<10240x128xf32, #tpu.memory_space<hbm>>) target(%arg10 : memref<64x128xf32, #tpu.memory_space<vmem>>) offsets(%dma_start3A_112 : memref<64xi32, #tpu.memory_space<vmem>>) semaphore(%arg15 : memref<!tpu.dma_semaphore, #tpu.memory_space<semaphore_mem>>)
        %dma_wait3A_116 = arith.constant 0 : i32
        %dma_wait3A_117 = arith.constant 0 : i32
        %dma_wait3A_118 = tpu.memref_slice %arg4[%dma_wait3A_116, %dma_wait3A_117] : memref<10240x128xf32, #tpu.memory_space<hbm>> -> memref<64x128xf32, #tpu.memory_space<hbm>>
        %dma_wait3A_119 = arith.constant 0 : i32
        %dma_wait3A_120 = arith.constant 0 : i32
        %dma_wait3A_121 = tpu.memref_slice %arg4[%dma_wait3A_119, %dma_wait3A_120] : memref<10240x128xf32, #tpu.memory_space<hbm>> -> memref<64x128xf32, #tpu.memory_space<hbm>>
        tpu.wait_dma2 semaphore(%arg16 : memref<!tpu.dma_semaphore, #tpu.memory_space<semaphore_mem>>) src(%dma_wait3A_121 : memref<64x128xf32, #tpu.memory_space<hbm>>) dst(%arg11 : memref<64x128xf32, #tpu.memory_space<vmem>>)
        %add3A_122 = arith.constant 2 : i32
        %add3A_123 = arith.addi %mul3A_79, %add3A_122 : i32
        "tpu.region"() ({
          %run_scoped3A_152 = tpu.sem_alloc : memref<!tpu.dma_semaphore, #tpu.memory_space<semaphore_mem>>
          %dma_start3A_153 = arith.constant 0 : i32
          %dma_start3A_154 = tpu.memref_slice %arg8[%add3A_123, %dma_start3A_153] : memref<32x64xi32, #tpu.memory_space<vmem>> -> memref<1x64xi32, #tpu.memory_space<vmem>>
          %dma_start3A_155 = tpu.memref_squeeze %dma_start3A_154 : memref<1x64xi32, #tpu.memory_space<vmem>> -> memref<64xi32, #tpu.memory_space<vmem>>
          %dma_start3A_156 = arith.constant 0 : i32
          %dma_start3A_157 = arith.constant 0 : i32
          %dma_start3A_158 = tpu.memref_slice %arg13[%dma_start3A_156, %dma_start3A_157] : memref<10240x128xf32, #tpu.memory_space<vmem_shared>> -> memref<10240x128xf32, #tpu.memory_space<vmem_shared>>
          tpu.enqueue_indirect_dma source(%arg11 : memref<64x128xf32, #tpu.memory_space<vmem>>) target(%dma_start3A_158 : memref<10240x128xf32, #tpu.memory_space<vmem_shared>>) offsets(%dma_start3A_155 : memref<64xi32, #tpu.memory_space<vmem>>) semaphore(%run_scoped3A_152 : memref<!tpu.dma_semaphore, #tpu.memory_space<semaphore_mem>>) {add = true}
          %dma_wait3A_159 = arith.constant 0 : i32
          %dma_wait3A_160 = tpu.memref_slice %arg8[%add3A_123, %dma_wait3A_159] : memref<32x64xi32, #tpu.memory_space<vmem>> -> memref<1x64xi32, #tpu.memory_space<vmem>>
          %dma_wait3A_161 = tpu.memref_squeeze %dma_wait3A_160 : memref<1x64xi32, #tpu.memory_space<vmem>> -> memref<64xi32, #tpu.memory_space<vmem>>
          %dma_wait3A_162 = arith.constant 0 : i32
          %dma_wait3A_163 = arith.constant 0 : i32
          %dma_wait3A_164 = tpu.memref_slice %arg13[%dma_wait3A_162, %dma_wait3A_163] : memref<10240x128xf32, #tpu.memory_space<vmem_shared>> -> memref<10240x128xf32, #tpu.memory_space<vmem_shared>>
          tpu.wait_indirect_dma semaphore(%run_scoped3A_152 : memref<!tpu.dma_semaphore, #tpu.memory_space<semaphore_mem>>) src(%arg11 : memref<64x128xf32, #tpu.memory_space<vmem>>) dst(%dma_wait3A_164 : memref<10240x128xf32, #tpu.memory_space<vmem_shared>>)
          tpu.yield
        }) : () -> ()
        %add3A_124 = arith.constant 4 : i32
        %add3A_125 = arith.addi %mul3A_79, %add3A_124 : i32
        %add3A_126 = arith.constant 2 : i32
        %add3A_127 = arith.addi %add3A_125, %add3A_126 : i32
        %dma_start3A_128 = arith.constant 0 : i32
        %dma_start3A_129 = tpu.memref_slice %arg7[%add3A_127, %dma_start3A_128] : memref<32x64xi32, #tpu.memory_space<vmem>> -> memref<1x64xi32, #tpu.memory_space<vmem>>
        %dma_start3A_130 = tpu.memref_squeeze %dma_start3A_129 : memref<1x64xi32, #tpu.memory_space<vmem>> -> memref<64xi32, #tpu.memory_space<vmem>>
        %dma_start3A_131 = arith.constant 0 : i32
        %dma_start3A_132 = arith.constant 0 : i32
        %dma_start3A_133 = tpu.memref_slice %arg4[%dma_start3A_131, %dma_start3A_132] : memref<10240x128xf32, #tpu.memory_space<hbm>> -> memref<10240x128xf32, #tpu.memory_space<hbm>>
        tpu.enqueue_indirect_dma source(%dma_start3A_133 : memref<10240x128xf32, #tpu.memory_space<hbm>>) target(%arg11 : memref<64x128xf32, #tpu.memory_space<vmem>>) offsets(%dma_start3A_130 : memref<64xi32, #tpu.memory_space<vmem>>) semaphore(%arg16 : memref<!tpu.dma_semaphore, #tpu.memory_space<semaphore_mem>>)
        %dma_wait3A_134 = arith.constant 0 : i32
        %dma_wait3A_135 = arith.constant 0 : i32
        %dma_wait3A_136 = tpu.memref_slice %arg4[%dma_wait3A_134, %dma_wait3A_135] : memref<10240x128xf32, #tpu.memory_space<hbm>> -> memref<64x128xf32, #tpu.memory_space<hbm>>
        %dma_wait3A_137 = arith.constant 0 : i32
        %dma_wait3A_138 = arith.constant 0 : i32
        %dma_wait3A_139 = tpu.memref_slice %arg4[%dma_wait3A_137, %dma_wait3A_138] : memref<10240x128xf32, #tpu.memory_space<hbm>> -> memref<64x128xf32, #tpu.memory_space<hbm>>
        tpu.wait_dma2 semaphore(%arg17 : memref<!tpu.dma_semaphore, #tpu.memory_space<semaphore_mem>>) src(%dma_wait3A_139 : memref<64x128xf32, #tpu.memory_space<hbm>>) dst(%arg12 : memref<64x128xf32, #tpu.memory_space<vmem>>)
        %add3A_140 = arith.constant 3 : i32
        %add3A_141 = arith.addi %mul3A_79, %add3A_140 : i32
        "tpu.region"() ({
          %run_scoped3A_152 = tpu.sem_alloc : memref<!tpu.dma_semaphore, #tpu.memory_space<semaphore_mem>>
          %dma_start3A_153 = arith.constant 0 : i32
          %dma_start3A_154 = tpu.memref_slice %arg8[%add3A_141, %dma_start3A_153] : memref<32x64xi32, #tpu.memory_space<vmem>> -> memref<1x64xi32, #tpu.memory_space<vmem>>
          %dma_start3A_155 = tpu.memref_squeeze %dma_start3A_154 : memref<1x64xi32, #tpu.memory_space<vmem>> -> memref<64xi32, #tpu.memory_space<vmem>>
          %dma_start3A_156 = arith.constant 0 : i32
          %dma_start3A_157 = arith.constant 0 : i32
          %dma_start3A_158 = tpu.memref_slice %arg13[%dma_start3A_156, %dma_start3A_157] : memref<10240x128xf32, #tpu.memory_space<vmem_shared>> -> memref<10240x128xf32, #tpu.memory_space<vmem_shared>>
          tpu.enqueue_indirect_dma source(%arg12 : memref<64x128xf32, #tpu.memory_space<vmem>>) target(%dma_start3A_158 : memref<10240x128xf32, #tpu.memory_space<vmem_shared>>) offsets(%dma_start3A_155 : memref<64xi32, #tpu.memory_space<vmem>>) semaphore(%run_scoped3A_152 : memref<!tpu.dma_semaphore, #tpu.memory_space<semaphore_mem>>) {add = true}
          %dma_wait3A_159 = arith.constant 0 : i32
          %dma_wait3A_160 = tpu.memref_slice %arg8[%add3A_141, %dma_wait3A_159] : memref<32x64xi32, #tpu.memory_space<vmem>> -> memref<1x64xi32, #tpu.memory_space<vmem>>
          %dma_wait3A_161 = tpu.memref_squeeze %dma_wait3A_160 : memref<1x64xi32, #tpu.memory_space<vmem>> -> memref<64xi32, #tpu.memory_space<vmem>>
          %dma_wait3A_162 = arith.constant 0 : i32
          %dma_wait3A_163 = arith.constant 0 : i32
          %dma_wait3A_164 = tpu.memref_slice %arg13[%dma_wait3A_162, %dma_wait3A_163] : memref<10240x128xf32, #tpu.memory_space<vmem_shared>> -> memref<10240x128xf32, #tpu.memory_space<vmem_shared>>
          tpu.wait_indirect_dma semaphore(%run_scoped3A_152 : memref<!tpu.dma_semaphore, #tpu.memory_space<semaphore_mem>>) src(%arg12 : memref<64x128xf32, #tpu.memory_space<vmem>>) dst(%dma_wait3A_164 : memref<10240x128xf32, #tpu.memory_space<vmem_shared>>)
          tpu.yield
        }) : () -> ()
        %add3A_142 = arith.constant 4 : i32
        %add3A_143 = arith.addi %mul3A_79, %add3A_142 : i32
        %add3A_144 = arith.constant 3 : i32
        %add3A_145 = arith.addi %add3A_143, %add3A_144 : i32
        %dma_start3A_146 = arith.constant 0 : i32
        %dma_start3A_147 = tpu.memref_slice %arg7[%add3A_145, %dma_start3A_146] : memref<32x64xi32, #tpu.memory_space<vmem>> -> memref<1x64xi32, #tpu.memory_space<vmem>>
        %dma_start3A_148 = tpu.memref_squeeze %dma_start3A_147 : memref<1x64xi32, #tpu.memory_space<vmem>> -> memref<64xi32, #tpu.memory_space<vmem>>
        %dma_start3A_149 = arith.constant 0 : i32
        %dma_start3A_150 = arith.constant 0 : i32
        %dma_start3A_151 = tpu.memref_slice %arg4[%dma_start3A_149, %dma_start3A_150] : memref<10240x128xf32, #tpu.memory_space<hbm>> -> memref<10240x128xf32, #tpu.memory_space<hbm>>
        tpu.enqueue_indirect_dma source(%dma_start3A_151 : memref<10240x128xf32, #tpu.memory_space<hbm>>) target(%arg12 : memref<64x128xf32, #tpu.memory_space<vmem>>) offsets(%dma_start3A_148 : memref<64xi32, #tpu.memory_space<vmem>>) semaphore(%arg17 : memref<!tpu.dma_semaphore, #tpu.memory_space<semaphore_mem>>)
      }
      %scan3A_50 = arith.constant 7 : i32
      %dma_wait3A = arith.constant 0 : i32
      %dma_wait3A_51 = arith.constant 0 : i32
      %dma_wait3A_52 = tpu.memref_slice %arg4[%dma_wait3A, %dma_wait3A_51] : memref<10240x128xf32, #tpu.memory_space<hbm>> -> memref<64x128xf32, #tpu.memory_space<hbm>>
      %dma_wait3A_53 = arith.constant 0 : i32
      %dma_wait3A_54 = arith.constant 0 : i32
      %dma_wait3A_55 = tpu.memref_slice %arg4[%dma_wait3A_53, %dma_wait3A_54] : memref<10240x128xf32, #tpu.memory_space<hbm>> -> memref<64x128xf32, #tpu.memory_space<hbm>>
      tpu.wait_dma2 semaphore(%arg14 : memref<!tpu.dma_semaphore, #tpu.memory_space<semaphore_mem>>) src(%dma_wait3A_55 : memref<64x128xf32, #tpu.memory_space<hbm>>) dst(%arg9 : memref<64x128xf32, #tpu.memory_space<vmem>>)
      %run_scoped3A = arith.constant 28 : i32
      "tpu.region"() ({
        %run_scoped3A_77 = tpu.sem_alloc : memref<!tpu.dma_semaphore, #tpu.memory_space<semaphore_mem>>
        %dma_start3A_78 = arith.constant 0 : i32
        %dma_start3A_79 = tpu.memref_slice %arg8[%run_scoped3A, %dma_start3A_78] : memref<32x64xi32, #tpu.memory_space<vmem>> -> memref<1x64xi32, #tpu.memory_space<vmem>>
        %dma_start3A_80 = tpu.memref_squeeze %dma_start3A_79 : memref<1x64xi32, #tpu.memory_space<vmem>> -> memref<64xi32, #tpu.memory_space<vmem>>
        %dma_start3A_81 = arith.constant 0 : i32
        %dma_start3A_82 = arith.constant 0 : i32
        %dma_start3A_83 = tpu.memref_slice %arg13[%dma_start3A_81, %dma_start3A_82] : memref<10240x128xf32, #tpu.memory_space<vmem_shared>> -> memref<10240x128xf32, #tpu.memory_space<vmem_shared>>
        tpu.enqueue_indirect_dma source(%arg9 : memref<64x128xf32, #tpu.memory_space<vmem>>) target(%dma_start3A_83 : memref<10240x128xf32, #tpu.memory_space<vmem_shared>>) offsets(%dma_start3A_80 : memref<64xi32, #tpu.memory_space<vmem>>) semaphore(%run_scoped3A_77 : memref<!tpu.dma_semaphore, #tpu.memory_space<semaphore_mem>>) {add = true}
        %dma_wait3A_84 = arith.constant 0 : i32
        %dma_wait3A_85 = tpu.memref_slice %arg8[%run_scoped3A, %dma_wait3A_84] : memref<32x64xi32, #tpu.memory_space<vmem>> -> memref<1x64xi32, #tpu.memory_space<vmem>>
        %dma_wait3A_86 = tpu.memref_squeeze %dma_wait3A_85 : memref<1x64xi32, #tpu.memory_space<vmem>> -> memref<64xi32, #tpu.memory_space<vmem>>
        %dma_wait3A_87 = arith.constant 0 : i32
        %dma_wait3A_88 = arith.constant 0 : i32
        %dma_wait3A_89 = tpu.memref_slice %arg13[%dma_wait3A_87, %dma_wait3A_88] : memref<10240x128xf32, #tpu.memory_space<vmem_shared>> -> memref<10240x128xf32, #tpu.memory_space<vmem_shared>>
        tpu.wait_indirect_dma semaphore(%run_scoped3A_77 : memref<!tpu.dma_semaphore, #tpu.memory_space<semaphore_mem>>) src(%arg9 : memref<64x128xf32, #tpu.memory_space<vmem>>) dst(%dma_wait3A_89 : memref<10240x128xf32, #tpu.memory_space<vmem_shared>>)
        tpu.yield
      }) : () -> ()
      %dma_wait3A_56 = arith.constant 0 : i32
      %dma_wait3A_57 = arith.constant 0 : i32
      %dma_wait3A_58 = tpu.memref_slice %arg4[%dma_wait3A_56, %dma_wait3A_57] : memref<10240x128xf32, #tpu.memory_space<hbm>> -> memref<64x128xf32, #tpu.memory_space<hbm>>
      %dma_wait3A_59 = arith.constant 0 : i32
      %dma_wait3A_60 = arith.constant 0 : i32
      %dma_wait3A_61 = tpu.memref_slice %arg4[%dma_wait3A_59, %dma_wait3A_60] : memref<10240x128xf32, #tpu.memory_space<hbm>> -> memref<64x128xf32, #tpu.memory_space<hbm>>
      tpu.wait_dma2 semaphore(%arg15 : memref<!tpu.dma_semaphore, #tpu.memory_space<semaphore_mem>>) src(%dma_wait3A_61 : memref<64x128xf32, #tpu.memory_space<hbm>>) dst(%arg10 : memref<64x128xf32, #tpu.memory_space<vmem>>)
      %run_scoped3A_62 = arith.constant 29 : i32
      "tpu.region"() ({
        %run_scoped3A_77 = tpu.sem_alloc : memref<!tpu.dma_semaphore, #tpu.memory_space<semaphore_mem>>
        %dma_start3A_78 = arith.constant 0 : i32
        %dma_start3A_79 = tpu.memref_slice %arg8[%run_scoped3A_62, %dma_start3A_78] : memref<32x64xi32, #tpu.memory_space<vmem>> -> memref<1x64xi32, #tpu.memory_space<vmem>>
        %dma_start3A_80 = tpu.memref_squeeze %dma_start3A_79 : memref<1x64xi32, #tpu.memory_space<vmem>> -> memref<64xi32, #tpu.memory_space<vmem>>
        %dma_start3A_81 = arith.constant 0 : i32
        %dma_start3A_82 = arith.constant 0 : i32
        %dma_start3A_83 = tpu.memref_slice %arg13[%dma_start3A_81, %dma_start3A_82] : memref<10240x128xf32, #tpu.memory_space<vmem_shared>> -> memref<10240x128xf32, #tpu.memory_space<vmem_shared>>
        tpu.enqueue_indirect_dma source(%arg10 : memref<64x128xf32, #tpu.memory_space<vmem>>) target(%dma_start3A_83 : memref<10240x128xf32, #tpu.memory_space<vmem_shared>>) offsets(%dma_start3A_80 : memref<64xi32, #tpu.memory_space<vmem>>) semaphore(%run_scoped3A_77 : memref<!tpu.dma_semaphore, #tpu.memory_space<semaphore_mem>>) {add = true}
        %dma_wait3A_84 = arith.constant 0 : i32
        %dma_wait3A_85 = tpu.memref_slice %arg8[%run_scoped3A_62, %dma_wait3A_84] : memref<32x64xi32, #tpu.memory_space<vmem>> -> memref<1x64xi32, #tpu.memory_space<vmem>>
        %dma_wait3A_86 = tpu.memref_squeeze %dma_wait3A_85 : memref<1x64xi32, #tpu.memory_space<vmem>> -> memref<64xi32, #tpu.memory_space<vmem>>
        %dma_wait3A_87 = arith.constant 0 : i32
        %dma_wait3A_88 = arith.constant 0 : i32
        %dma_wait3A_89 = tpu.memref_slice %arg13[%dma_wait3A_87, %dma_wait3A_88] : memref<10240x128xf32, #tpu.memory_space<vmem_shared>> -> memref<10240x128xf32, #tpu.memory_space<vmem_shared>>
        tpu.wait_indirect_dma semaphore(%run_scoped3A_77 : memref<!tpu.dma_semaphore, #tpu.memory_space<semaphore_mem>>) src(%arg10 : memref<64x128xf32, #tpu.memory_space<vmem>>) dst(%dma_wait3A_89 : memref<10240x128xf32, #tpu.memory_space<vmem_shared>>)
        tpu.yield
      }) : () -> ()
      %dma_wait3A_63 = arith.constant 0 : i32
      %dma_wait3A_64 = arith.constant 0 : i32
      %dma_wait3A_65 = tpu.memref_slice %arg4[%dma_wait3A_63, %dma_wait3A_64] : memref<10240x128xf32, #tpu.memory_space<hbm>> -> memref<64x128xf32, #tpu.memory_space<hbm>>
      %dma_wait3A_66 = arith.constant 0 : i32
      %dma_wait3A_67 = arith.constant 0 : i32
      %dma_wait3A_68 = tpu.memref_slice %arg4[%dma_wait3A_66, %dma_wait3A_67] : memref<10240x128xf32, #tpu.memory_space<hbm>> -> memref<64x128xf32, #tpu.memory_space<hbm>>
      tpu.wait_dma2 semaphore(%arg16 : memref<!tpu.dma_semaphore, #tpu.memory_space<semaphore_mem>>) src(%dma_wait3A_68 : memref<64x128xf32, #tpu.memory_space<hbm>>) dst(%arg11 : memref<64x128xf32, #tpu.memory_space<vmem>>)
      %run_scoped3A_69 = arith.constant 30 : i32
      "tpu.region"() ({
        %run_scoped3A_77 = tpu.sem_alloc : memref<!tpu.dma_semaphore, #tpu.memory_space<semaphore_mem>>
        %dma_start3A_78 = arith.constant 0 : i32
        %dma_start3A_79 = tpu.memref_slice %arg8[%run_scoped3A_69, %dma_start3A_78] : memref<32x64xi32, #tpu.memory_space<vmem>> -> memref<1x64xi32, #tpu.memory_space<vmem>>
        %dma_start3A_80 = tpu.memref_squeeze %dma_start3A_79 : memref<1x64xi32, #tpu.memory_space<vmem>> -> memref<64xi32, #tpu.memory_space<vmem>>
        %dma_start3A_81 = arith.constant 0 : i32
        %dma_start3A_82 = arith.constant 0 : i32
        %dma_start3A_83 = tpu.memref_slice %arg13[%dma_start3A_81, %dma_start3A_82] : memref<10240x128xf32, #tpu.memory_space<vmem_shared>> -> memref<10240x128xf32, #tpu.memory_space<vmem_shared>>
        tpu.enqueue_indirect_dma source(%arg11 : memref<64x128xf32, #tpu.memory_space<vmem>>) target(%dma_start3A_83 : memref<10240x128xf32, #tpu.memory_space<vmem_shared>>) offsets(%dma_start3A_80 : memref<64xi32, #tpu.memory_space<vmem>>) semaphore(%run_scoped3A_77 : memref<!tpu.dma_semaphore, #tpu.memory_space<semaphore_mem>>) {add = true}
        %dma_wait3A_84 = arith.constant 0 : i32
        %dma_wait3A_85 = tpu.memref_slice %arg8[%run_scoped3A_69, %dma_wait3A_84] : memref<32x64xi32, #tpu.memory_space<vmem>> -> memref<1x64xi32, #tpu.memory_space<vmem>>
        %dma_wait3A_86 = tpu.memref_squeeze %dma_wait3A_85 : memref<1x64xi32, #tpu.memory_space<vmem>> -> memref<64xi32, #tpu.memory_space<vmem>>
        %dma_wait3A_87 = arith.constant 0 : i32
        %dma_wait3A_88 = arith.constant 0 : i32
        %dma_wait3A_89 = tpu.memref_slice %arg13[%dma_wait3A_87, %dma_wait3A_88] : memref<10240x128xf32, #tpu.memory_space<vmem_shared>> -> memref<10240x128xf32, #tpu.memory_space<vmem_shared>>
        tpu.wait_indirect_dma semaphore(%run_scoped3A_77 : memref<!tpu.dma_semaphore, #tpu.memory_space<semaphore_mem>>) src(%arg11 : memref<64x128xf32, #tpu.memory_space<vmem>>) dst(%dma_wait3A_89 : memref<10240x128xf32, #tpu.memory_space<vmem_shared>>)
        tpu.yield
      }) : () -> ()
      %dma_wait3A_70 = arith.constant 0 : i32
      %dma_wait3A_71 = arith.constant 0 : i32
      %dma_wait3A_72 = tpu.memref_slice %arg4[%dma_wait3A_70, %dma_wait3A_71] : memref<10240x128xf32, #tpu.memory_space<hbm>> -> memref<64x128xf32, #tpu.memory_space<hbm>>
      %dma_wait3A_73 = arith.constant 0 : i32
      %dma_wait3A_74 = arith.constant 0 : i32
      %dma_wait3A_75 = tpu.memref_slice %arg4[%dma_wait3A_73, %dma_wait3A_74] : memref<10240x128xf32, #tpu.memory_space<hbm>> -> memref<64x128xf32, #tpu.memory_space<hbm>>
      tpu.wait_dma2 semaphore(%arg17 : memref<!tpu.dma_semaphore, #tpu.memory_space<semaphore_mem>>) src(%dma_wait3A_75 : memref<64x128xf32, #tpu.memory_space<hbm>>) dst(%arg12 : memref<64x128xf32, #tpu.memory_space<vmem>>)
      %run_scoped3A_76 = arith.constant 31 : i32
      "tpu.region"() ({
        %run_scoped3A_77 = tpu.sem_alloc : memref<!tpu.dma_semaphore, #tpu.memory_space<semaphore_mem>>
        %dma_start3A_78 = arith.constant 0 : i32
        %dma_start3A_79 = tpu.memref_slice %arg8[%run_scoped3A_76, %dma_start3A_78] : memref<32x64xi32, #tpu.memory_space<vmem>> -> memref<1x64xi32, #tpu.memory_space<vmem>>
        %dma_start3A_80 = tpu.memref_squeeze %dma_start3A_79 : memref<1x64xi32, #tpu.memory_space<vmem>> -> memref<64xi32, #tpu.memory_space<vmem>>
        %dma_start3A_81 = arith.constant 0 : i32
        %dma_start3A_82 = arith.constant 0 : i32
        %dma_start3A_83 = tpu.memref_slice %arg13[%dma_start3A_81, %dma_start3A_82] : memref<10240x128xf32, #tpu.memory_space<vmem_shared>> -> memref<10240x128xf32, #tpu.memory_space<vmem_shared>>
        tpu.enqueue_indirect_dma source(%arg12 : memref<64x128xf32, #tpu.memory_space<vmem>>) target(%dma_start3A_83 : memref<10240x128xf32, #tpu.memory_space<vmem_shared>>) offsets(%dma_start3A_80 : memref<64xi32, #tpu.memory_space<vmem>>) semaphore(%run_scoped3A_77 : memref<!tpu.dma_semaphore, #tpu.memory_space<semaphore_mem>>) {add = true}
        %dma_wait3A_84 = arith.constant 0 : i32
        %dma_wait3A_85 = tpu.memref_slice %arg8[%run_scoped3A_76, %dma_wait3A_84] : memref<32x64xi32, #tpu.memory_space<vmem>> -> memref<1x64xi32, #tpu.memory_space<vmem>>
        %dma_wait3A_86 = tpu.memref_squeeze %dma_wait3A_85 : memref<1x64xi32, #tpu.memory_space<vmem>> -> memref<64xi32, #tpu.memory_space<vmem>>
        %dma_wait3A_87 = arith.constant 0 : i32
        %dma_wait3A_88 = arith.constant 0 : i32
        %dma_wait3A_89 = tpu.memref_slice %arg13[%dma_wait3A_87, %dma_wait3A_88] : memref<10240x128xf32, #tpu.memory_space<vmem_shared>> -> memref<10240x128xf32, #tpu.memory_space<vmem_shared>>
        tpu.wait_indirect_dma semaphore(%run_scoped3A_77 : memref<!tpu.dma_semaphore, #tpu.memory_space<semaphore_mem>>) src(%arg12 : memref<64x128xf32, #tpu.memory_space<vmem>>) dst(%dma_wait3A_89 : memref<10240x128xf32, #tpu.memory_space<vmem_shared>>)
        tpu.yield
      }) : () -> ()
    }
    %scan3A_7 = arith.constant 5 : i32
    %barrier3A_8 = arith.constant 0 : index
    tpu.barrier barrier_id(%barrier3A_8)
    %mul3A_9 = arith.constant 640 : i32
    %mul3A_10 = arith.muli %arg1, %mul3A_9 : i32
    %mul3A_11 = arith.constant 640 : i32
    %mul3A_12 = arith.muli %arg1, %mul3A_11 : i32
    "tpu.region"() ({
      %run_scoped3A = tpu.sem_alloc : memref<!tpu.dma_semaphore, #tpu.memory_space<semaphore_mem>>
      %dma_start3A = arith.constant 0 : i32
      %dma_start3A_13 = tpu.memref_slice %arg6[%arg0, %mul3A_12, %dma_start3A] : memref<2x10240x128xf32, #tpu.memory_space<hbm>> -> memref<1x640x128xf32, #tpu.memory_space<hbm>>
      %dma_start3A_14 = tpu.memref_squeeze %dma_start3A_13 : memref<1x640x128xf32, #tpu.memory_space<hbm>> -> memref<640x128xf32, #tpu.memory_space<hbm>>
      %dma_start3A_15 = arith.constant 0 : i32
      %dma_start3A_16 = tpu.memref_slice %arg13[%mul3A_10, %dma_start3A_15] : memref<10240x128xf32, #tpu.memory_space<vmem_shared>> -> memref<640x128xf32, #tpu.memory_space<vmem_shared>>
      tpu.enqueue_dma source(%dma_start3A_16 : memref<640x128xf32, #tpu.memory_space<vmem_shared>>) target(%dma_start3A_14 : memref<640x128xf32, #tpu.memory_space<hbm>>) target_semaphore(%run_scoped3A : memref<!tpu.dma_semaphore, #tpu.memory_space<semaphore_mem>>)
      %dma_wait3A = arith.constant 0 : i32
      %dma_wait3A_17 = tpu.memref_slice %arg6[%arg0, %mul3A_12, %dma_wait3A] : memref<2x10240x128xf32, #tpu.memory_space<hbm>> -> memref<1x640x128xf32, #tpu.memory_space<hbm>>
      %dma_wait3A_18 = tpu.memref_squeeze %dma_wait3A_17 : memref<1x640x128xf32, #tpu.memory_space<hbm>> -> memref<640x128xf32, #tpu.memory_space<hbm>>
      %dma_wait3A_19 = arith.constant 0 : i32
      %dma_wait3A_20 = tpu.memref_slice %arg13[%mul3A_10, %dma_wait3A_19] : memref<10240x128xf32, #tpu.memory_space<vmem_shared>> -> memref<640x128xf32, #tpu.memory_space<vmem_shared>>
      tpu.wait_dma2 semaphore(%run_scoped3A : memref<!tpu.dma_semaphore, #tpu.memory_space<semaphore_mem>>) src(%dma_wait3A_20 : memref<640x128xf32, #tpu.memory_space<vmem_shared>>) dst(%dma_wait3A_18 : memref<640x128xf32, #tpu.memory_space<hbm>>)
      tpu.yield
    }) : () -> ()
    return
  }
}

module attributes {stable_mosaic.version = 14 : i64} {
  func.func @_tc_a1_body(%arg0: i32, %arg1: memref<2048x128xf32, #tpu.memory_space<vmem>>, %arg2: memref<128x128xf32, #tpu.memory_space<vmem>>, %arg3: memref<2x2048xf32, #tpu.memory_space<vmem>>, %arg4: memref<2048x128xf32, #tpu.memory_space<vmem>>) attributes {dimension_semantics = [#tpu.dimension_semantics<arbitrary>], iteration_bounds = array<i64: 5>, scalar_prefetch = 0 : i64, scratch_operands = 0 : i64, tpu.core_type = #tpu.core_type<tc>, window_params = [{transform_indices = @transform_0, window_bounds = array<i64: 2048, 128>}, {pipeline_mode = #tpu.pipeline_mode<synchronous>, transform_indices = @transform_1, window_bounds = array<i64: 128, 128>}, {transform_indices = @transform_2, window_bounds = array<i64: 2, 2048>}, {transform_indices = @transform_3, window_bounds = array<i64: 2048, 128>}]} {
    %get3A = arith.constant 0 : index
    %get3A_0 = arith.constant 0 : index
    %get3A_1 = vector.load %arg3[%get3A, %get3A_0] : memref<2x2048xf32, #tpu.memory_space<vmem>>, vector<2x2048xf32>
    %reduce_sum3A = arith.constant dense<0.000000e+00> : vector<2048xf32>
    %reduce_sum3A_2 = vector.multi_reduction <add>, %get3A_1, %reduce_sum3A [0] : vector<2x2048xf32> to vector<2048xf32>
    %broadcast_in_dim3A = vector.shape_cast %reduce_sum3A_2 : vector<2048xf32> to vector<1x2048xf32>
    %add3A = arith.constant 1.000000e+00 : f32
    %add3A_3 = vector.broadcast %add3A : f32 to vector<1x2048xf32>
    %add3A_4 = arith.addf %broadcast_in_dim3A, %add3A_3 : vector<1x2048xf32>
    %transpose3A = tpu.transpose %add3A_4, [1, 0] : vector<1x2048xf32> -> vector<2048x1xf32>
    %rsqrt3A = math.rsqrt %transpose3A : vector<2048x1xf32>
    %get3A_5 = arith.constant 0 : index
    %get3A_6 = arith.constant 0 : index
    %get3A_7 = vector.load %arg1[%get3A_5, %get3A_6] : memref<2048x128xf32, #tpu.memory_space<vmem>>, vector<2048x128xf32>
    %get3A_8 = arith.constant 0 : index
    %get3A_9 = arith.constant 0 : index
    %get3A_10 = vector.load %arg2[%get3A_8, %get3A_9] : memref<128x128xf32, #tpu.memory_space<vmem>>, vector<128x128xf32>
    %dot_general3A = arith.constant dense<0.000000e+00> : vector<2048x128xf32>
    %dot_general3A_11 = tpu.matmul %get3A_7, %get3A_10, %dot_general3A {dimension_numbers = #tpu.dot_dimension_numbers<[1], [0], [0], [1], [0, 0, 1, 1], [], []>, transpose_lhs_hint = false} : vector<2048x128xf32>, vector<128x128xf32>, vector<2048x128xf32> -> vector<2048x128xf32>
    %mul3A = vector.broadcast %rsqrt3A : vector<2048x1xf32> to vector<2048x128xf32>
    %mul3A_12 = arith.mulf %mul3A, %dot_general3A_11 : vector<2048x128xf32>
    %swap3A = arith.constant 0 : index
    %swap3A_13 = arith.constant 0 : index
    %swap3A_14 = vector.load %arg4[%swap3A, %swap3A_13] : memref<2048x128xf32, #tpu.memory_space<vmem>>, vector<2048x128xf32>
    tpu.vector_store %arg4[%swap3A, %swap3A_13], %mul3A_12 {strides = array<i32>} : memref<2048x128xf32, #tpu.memory_space<vmem>>, vector<2048x128xf32>,
    return
  }
  func.func @transform_0(%arg0: i32) -> (i32, i32) {
    %c0_i32 = arith.constant 0 : i32
    %c0_i32_0 = arith.constant 0 : i32
    return %arg0, %c0_i32 : i32, i32
  }
  func.func @transform_1(%arg0: i32) -> (i32, i32) {
    %c0_i32 = arith.constant 0 : i32
    %c0_i32_0 = arith.constant 0 : i32
    %c0_i32_1 = arith.constant 0 : i32
    return %c0_i32, %c0_i32_0 : i32, i32
  }
  func.func @transform_2(%arg0: i32) -> (i32, i32) {
    %c0_i32 = arith.constant 0 : i32
    %c0_i32_0 = arith.constant 0 : i32
    return %c0_i32, %arg0 : i32, i32
  }
  func.func @transform_3(%arg0: i32) -> (i32, i32) {
    %c0_i32 = arith.constant 0 : i32
    %c0_i32_0 = arith.constant 0 : i32
    return %arg0, %c0_i32 : i32, i32
  }
}

module attributes {stable_mosaic.version = 14 : i64} {
  func.func @_tc_a2_body(%arg0: i32, %arg1: memref<2x2048x128xf32, #tpu.memory_space<vmem>>, %arg2: memref<2048x128xf32, #tpu.memory_space<vmem>>, %arg3: memref<2x2048xf32, #tpu.memory_space<vmem>>, %arg4: memref<1x128xf32, #tpu.memory_space<vmem>>, %arg5: memref<128x128xf32, #tpu.memory_space<vmem>>, %arg6: memref<2048x128xf32, #tpu.memory_space<vmem>>) attributes {dimension_semantics = [#tpu.dimension_semantics<arbitrary>], iteration_bounds = array<i64: 5>, scalar_prefetch = 0 : i64, scratch_operands = 0 : i64, tpu.core_type = #tpu.core_type<tc>, window_params = [{transform_indices = @transform_0, window_bounds = array<i64: 2, 2048, 128>}, {transform_indices = @transform_1, window_bounds = array<i64: 2048, 128>}, {transform_indices = @transform_2, window_bounds = array<i64: 2, 2048>}, {pipeline_mode = #tpu.pipeline_mode<synchronous>, transform_indices = @transform_3, window_bounds = array<i64: 1, 128>}, {pipeline_mode = #tpu.pipeline_mode<synchronous>, transform_indices = @transform_4, window_bounds = array<i64: 128, 128>}, {transform_indices = @transform_5, window_bounds = array<i64: 2048, 128>}]} {
    %get3A = arith.constant 0 : index
    %get3A_0 = arith.constant 0 : index
    %get3A_1 = vector.load %arg3[%get3A, %get3A_0] : memref<2x2048xf32, #tpu.memory_space<vmem>>, vector<2x2048xf32>
    %reduce_sum3A = arith.constant dense<0.000000e+00> : vector<2048xf32>
    %reduce_sum3A_2 = vector.multi_reduction <add>, %get3A_1, %reduce_sum3A [0] : vector<2x2048xf32> to vector<2048xf32>
    %broadcast_in_dim3A = vector.shape_cast %reduce_sum3A_2 : vector<2048xf32> to vector<1x2048xf32>
    %add3A = arith.constant 1.000000e+00 : f32
    %add3A_3 = vector.broadcast %add3A : f32 to vector<1x2048xf32>
    %add3A_4 = arith.addf %broadcast_in_dim3A, %add3A_3 : vector<1x2048xf32>
    %transpose3A = tpu.transpose %add3A_4, [1, 0] : vector<1x2048xf32> -> vector<2048x1xf32>
    %rsqrt3A = math.rsqrt %transpose3A : vector<2048x1xf32>
    %get3A_5 = arith.constant 0 : index
    %get3A_6 = arith.constant 0 : index
    %get3A_7 = arith.constant 0 : index
    %get3A_8 = vector.load %arg1[%get3A_5, %get3A_6, %get3A_7] : memref<2x2048x128xf32, #tpu.memory_space<vmem>>, vector<1x2048x128xf32>
    %get3A_9 = vector.shape_cast %get3A_8 : vector<1x2048x128xf32> to vector<2048x128xf32>
    %get3A_10 = arith.constant 1 : index
    %get3A_11 = arith.constant 0 : index
    %get3A_12 = arith.constant 0 : index
    %get3A_13 = vector.load %arg1[%get3A_10, %get3A_11, %get3A_12] : memref<2x2048x128xf32, #tpu.memory_space<vmem>>, vector<1x2048x128xf32>
    %get3A_14 = vector.shape_cast %get3A_13 : vector<1x2048x128xf32> to vector<2048x128xf32>
    %add3A_15 = arith.addf %get3A_9, %get3A_14 : vector<2048x128xf32>
    %get3A_16 = arith.constant 0 : index
    %get3A_17 = arith.constant 0 : index
    %get3A_18 = vector.load %arg2[%get3A_16, %get3A_17] : memref<2048x128xf32, #tpu.memory_space<vmem>>, vector<2048x128xf32>
    %add3A_19 = arith.addf %add3A_15, %get3A_18 : vector<2048x128xf32>
    %mul3A = vector.broadcast %rsqrt3A : vector<2048x1xf32> to vector<2048x128xf32>
    %mul3A_20 = arith.mulf %mul3A, %add3A_19 : vector<2048x128xf32>
    %get3A_21 = arith.constant 0 : index
    %get3A_22 = arith.constant 0 : index
    %get3A_23 = vector.load %arg4[%get3A_21, %get3A_22] : memref<1x128xf32, #tpu.memory_space<vmem>>, vector<1x128xf32>
    %add3A_24 = vector.broadcast %get3A_23 : vector<1x128xf32> to vector<2048x128xf32>
    %add3A_25 = arith.addf %mul3A_20, %add3A_24 : vector<2048x128xf32>
    %max3A = arith.constant 0.000000e+00 : f32
    %max3A_26 = vector.broadcast %max3A : f32 to vector<2048x128xf32>
    %max3A_27 = arith.maximumf %add3A_25, %max3A_26 : vector<2048x128xf32>
    %get3A_28 = arith.constant 0 : index
    %get3A_29 = arith.constant 0 : index
    %get3A_30 = vector.load %arg5[%get3A_28, %get3A_29] : memref<128x128xf32, #tpu.memory_space<vmem>>, vector<128x128xf32>
    %dot_general3A = arith.constant dense<0.000000e+00> : vector<2048x128xf32>
    %dot_general3A_31 = tpu.matmul %max3A_27, %get3A_30, %dot_general3A {dimension_numbers = #tpu.dot_dimension_numbers<[1], [0], [0], [1], [0, 0, 1, 1], [], []>, transpose_lhs_hint = false} : vector<2048x128xf32>, vector<128x128xf32>, vector<2048x128xf32> -> vector<2048x128xf32>
    %mul3A_32 = vector.broadcast %rsqrt3A : vector<2048x1xf32> to vector<2048x128xf32>
    %mul3A_33 = arith.mulf %mul3A_32, %dot_general3A_31 : vector<2048x128xf32>
    %swap3A = arith.constant 0 : index
    %swap3A_34 = arith.constant 0 : index
    %swap3A_35 = vector.load %arg6[%swap3A, %swap3A_34] : memref<2048x128xf32, #tpu.memory_space<vmem>>, vector<2048x128xf32>
    tpu.vector_store %arg6[%swap3A, %swap3A_34], %mul3A_33 {strides = array<i32>} : memref<2048x128xf32, #tpu.memory_space<vmem>>, vector<2048x128xf32>,
    return
  }
  func.func @transform_0(%arg0: i32) -> (i32, i32, i32) {
    %c0_i32 = arith.constant 0 : i32
    %c0_i32_0 = arith.constant 0 : i32
    %c0_i32_1 = arith.constant 0 : i32
    return %c0_i32, %arg0, %c0_i32_0 : i32, i32, i32
  }
  func.func @transform_1(%arg0: i32) -> (i32, i32) {
    %c0_i32 = arith.constant 0 : i32
    %c0_i32_0 = arith.constant 0 : i32
    return %arg0, %c0_i32 : i32, i32
  }
  func.func @transform_2(%arg0: i32) -> (i32, i32) {
    %c0_i32 = arith.constant 0 : i32
    %c0_i32_0 = arith.constant 0 : i32
    return %c0_i32, %arg0 : i32, i32
  }
  func.func @transform_3(%arg0: i32) -> (i32, i32) {
    %c0_i32 = arith.constant 0 : i32
    %c0_i32_0 = arith.constant 0 : i32
    %c0_i32_1 = arith.constant 0 : i32
    return %c0_i32, %c0_i32_0 : i32, i32
  }
  func.func @transform_4(%arg0: i32) -> (i32, i32) {
    %c0_i32 = arith.constant 0 : i32
    %c0_i32_0 = arith.constant 0 : i32
    %c0_i32_1 = arith.constant 0 : i32
    return %c0_i32, %c0_i32_0 : i32, i32
  }
  func.func @transform_5(%arg0: i32) -> (i32, i32) {
    %c0_i32 = arith.constant 0 : i32
    %c0_i32_0 = arith.constant 0 : i32
    return %arg0, %c0_i32 : i32, i32
  }
}

module attributes {stable_mosaic.version = 14 : i64} {
  func.func @_tc_a3_body(%arg0: i32, %arg1: memref<2x2048x128xf32, #tpu.memory_space<vmem>>, %arg2: memref<2048x128xf32, #tpu.memory_space<vmem>>, %arg3: memref<2x2048xf32, #tpu.memory_space<vmem>>, %arg4: memref<1x128xf32, #tpu.memory_space<vmem>>, %arg5: memref<2048x128xf32, #tpu.memory_space<vmem>>) attributes {dimension_semantics = [#tpu.dimension_semantics<arbitrary>], iteration_bounds = array<i64: 5>, scalar_prefetch = 0 : i64, scratch_operands = 0 : i64, tpu.core_type = #tpu.core_type<tc>, window_params = [{transform_indices = @transform_0, window_bounds = array<i64: 2, 2048, 128>}, {transform_indices = @transform_1, window_bounds = array<i64: 2048, 128>}, {transform_indices = @transform_2, window_bounds = array<i64: 2, 2048>}, {pipeline_mode = #tpu.pipeline_mode<synchronous>, transform_indices = @transform_3, window_bounds = array<i64: 1, 128>}, {transform_indices = @transform_4, window_bounds = array<i64: 2048, 128>}]} {
    %get3A = arith.constant 0 : index
    %get3A_0 = arith.constant 0 : index
    %get3A_1 = vector.load %arg3[%get3A, %get3A_0] : memref<2x2048xf32, #tpu.memory_space<vmem>>, vector<2x2048xf32>
    %reduce_sum3A = arith.constant dense<0.000000e+00> : vector<2048xf32>
    %reduce_sum3A_2 = vector.multi_reduction <add>, %get3A_1, %reduce_sum3A [0] : vector<2x2048xf32> to vector<2048xf32>
    %broadcast_in_dim3A = vector.shape_cast %reduce_sum3A_2 : vector<2048xf32> to vector<1x2048xf32>
    %add3A = arith.constant 1.000000e+00 : f32
    %add3A_3 = vector.broadcast %add3A : f32 to vector<1x2048xf32>
    %add3A_4 = arith.addf %broadcast_in_dim3A, %add3A_3 : vector<1x2048xf32>
    %transpose3A = tpu.transpose %add3A_4, [1, 0] : vector<1x2048xf32> -> vector<2048x1xf32>
    %rsqrt3A = math.rsqrt %transpose3A : vector<2048x1xf32>
    %get3A_5 = arith.constant 0 : index
    %get3A_6 = arith.constant 0 : index
    %get3A_7 = arith.constant 0 : index
    %get3A_8 = vector.load %arg1[%get3A_5, %get3A_6, %get3A_7] : memref<2x2048x128xf32, #tpu.memory_space<vmem>>, vector<1x2048x128xf32>
    %get3A_9 = vector.shape_cast %get3A_8 : vector<1x2048x128xf32> to vector<2048x128xf32>
    %get3A_10 = arith.constant 1 : index
    %get3A_11 = arith.constant 0 : index
    %get3A_12 = arith.constant 0 : index
    %get3A_13 = vector.load %arg1[%get3A_10, %get3A_11, %get3A_12] : memref<2x2048x128xf32, #tpu.memory_space<vmem>>, vector<1x2048x128xf32>
    %get3A_14 = vector.shape_cast %get3A_13 : vector<1x2048x128xf32> to vector<2048x128xf32>
    %add3A_15 = arith.addf %get3A_9, %get3A_14 : vector<2048x128xf32>
    %get3A_16 = arith.constant 0 : index
    %get3A_17 = arith.constant 0 : index
    %get3A_18 = vector.load %arg2[%get3A_16, %get3A_17] : memref<2048x128xf32, #tpu.memory_space<vmem>>, vector<2048x128xf32>
    %add3A_19 = arith.addf %add3A_15, %get3A_18 : vector<2048x128xf32>
    %mul3A = vector.broadcast %rsqrt3A : vector<2048x1xf32> to vector<2048x128xf32>
    %mul3A_20 = arith.mulf %mul3A, %add3A_19 : vector<2048x128xf32>
    %get3A_21 = arith.constant 0 : index
    %get3A_22 = arith.constant 0 : index
    %get3A_23 = vector.load %arg4[%get3A_21, %get3A_22] : memref<1x128xf32, #tpu.memory_space<vmem>>, vector<1x128xf32>
    %add3A_24 = vector.broadcast %get3A_23 : vector<1x128xf32> to vector<2048x128xf32>
    %add3A_25 = arith.addf %mul3A_20, %add3A_24 : vector<2048x128xf32>
    %reduce_max3A = arith.constant dense<0xFF800000> : vector<2048xf32>
    %reduce_max3A_26 = vector.multi_reduction <maximumf>, %add3A_25, %reduce_max3A [1] : vector<2048x128xf32> to vector<2048xf32>
    %broadcast_in_dim3A_27 = vector.shape_cast %reduce_max3A_26 : vector<2048xf32> to vector<2048x1xf32>
    %sub3A = vector.broadcast %broadcast_in_dim3A_27 : vector<2048x1xf32> to vector<2048x128xf32>
    %sub3A_28 = arith.subf %add3A_25, %sub3A : vector<2048x128xf32>
    %exp3A = math.exp %sub3A_28 : vector<2048x128xf32>
    %reduce_sum3A_29 = arith.constant dense<0.000000e+00> : vector<2048xf32>
    %reduce_sum3A_30 = vector.multi_reduction <add>, %exp3A, %reduce_sum3A_29 [1] : vector<2048x128xf32> to vector<2048xf32>
    %broadcast_in_dim3A_31 = vector.shape_cast %reduce_sum3A_30 : vector<2048xf32> to vector<2048x1xf32>
    %sub3A_32 = vector.broadcast %broadcast_in_dim3A_27 : vector<2048x1xf32> to vector<2048x128xf32>
    %sub3A_33 = arith.subf %add3A_25, %sub3A_32 : vector<2048x128xf32>
    %log3A = math.log %broadcast_in_dim3A_31 : vector<2048x1xf32>
    %sub3A_34 = vector.broadcast %log3A : vector<2048x1xf32> to vector<2048x128xf32>
    %sub3A_35 = arith.subf %sub3A_33, %sub3A_34 : vector<2048x128xf32>
    %swap3A = arith.constant 0 : index
    %swap3A_36 = arith.constant 0 : index
    %swap3A_37 = vector.load %arg5[%swap3A, %swap3A_36] : memref<2048x128xf32, #tpu.memory_space<vmem>>, vector<2048x128xf32>
    tpu.vector_store %arg5[%swap3A, %swap3A_36], %sub3A_35 {strides = array<i32>} : memref<2048x128xf32, #tpu.memory_space<vmem>>, vector<2048x128xf32>,
    return
  }
  func.func @transform_0(%arg0: i32) -> (i32, i32, i32) {
    %c0_i32 = arith.constant 0 : i32
    %c0_i32_0 = arith.constant 0 : i32
    %c0_i32_1 = arith.constant 0 : i32
    return %c0_i32, %arg0, %c0_i32_0 : i32, i32, i32
  }
  func.func @transform_1(%arg0: i32) -> (i32, i32) {
    %c0_i32 = arith.constant 0 : i32
    %c0_i32_0 = arith.constant 0 : i32
    return %arg0, %c0_i32 : i32, i32
  }
  func.func @transform_2(%arg0: i32) -> (i32, i32) {
    %c0_i32 = arith.constant 0 : i32
    %c0_i32_0 = arith.constant 0 : i32
    return %c0_i32, %arg0 : i32, i32
  }
  func.func @transform_3(%arg0: i32) -> (i32, i32) {
    %c0_i32 = arith.constant 0 : i32
    %c0_i32_0 = arith.constant 0 : i32
    %c0_i32_1 = arith.constant 0 : i32
    return %c0_i32, %c0_i32_0 : i32, i32
  }
  func.func @transform_4(%arg0: i32) -> (i32, i32) {
    %c0_i32 = arith.constant 0 : i32
    %c0_i32_0 = arith.constant 0 : i32
    return %arg0, %c0_i32 : i32, i32
  }
}

</mosaic_0001>

<sc_bundles>
// kernel: kernel.11.cloned.1.call-start
scs
__scs_entry_jumppad:
0x0: {  	(pc) =	sbr.rel $0x88, $3  }
0x1: {  	(tag) =	ssettag $0x0;
	lr =	simm.s32 $0x1  }
0x2: {  	[smem:$0x3F9B] =	sst lr;
	_ =	strace $0xD0000000  }
0x3: {  	_ = 	snop  }
0x4: {  	_ = 	snop  }
0x5: {  	_ = 	snop  }
0x6: {  	_ = 	snop  }
0x7: {  	_ = 	snop  }
__scs_overlays_trampoline_lowered:
0x8: {  	[smem:$0x3FAA] =	sst s0  }
0x9: {  	[smem:$0x3FAB] =	sst s1  }
0xa: {  	[smem:$0x3FAC] =	sst s2  }
0xb: {  	[smem:$0x3FAD] =	sst s3  }
0xc: {  	[smem:$0x3FAE] =	sst s4  }
0xd: {  	[smem:$0x3FAF] =	sst s5  }
0xe: {  	[smem:$0x3FB0] =	sst s6  }
0xf: {  	[smem:$0x3FB1] =	sst s7  }
0x10: {  	[smem:$0x3FB2] =	sst s8  }
0x11: {  	[smem:$0x3FB3] =	sst s9;
	s0 =	simm.s32 @!p0 $0x0  }
0x12: {  	s1 =	sld [smem:$0x3F99];
	s0 =	simm.s32 @p0 $0x1  }
0x13: {  	[smem:$0x3FB4] =	sst s0;
	s0 =	simm.s32 @!p1 $0x0  }
0x14: {  	s2 =	sld [smem:$0x3F98];
	s0 =	simm.s32 @p1 $0x1  }
0x15: {  	[smem:$0x3FB5] =	sst s0;
	s0 =	simm.s32 @!p2 $0x0  }
0x16: {  	s3 =	sld [smem:$0x3FDB];
	s0 =	simm.s32 @p2 $0x1  }
0x17: {  	s4 =	simm.s32 $0x1BF5;
	[smem:$0x3FB7] =	sst s0  }
0x18: {  	s0 =	sld [smem:$0x3F9A];
	_ =	swait.ge [sflag:s4], $0x0  }
0x19: {  	s7 =	sld [smem:$0x3F9B]  }
0x1a: {  	s8 =	sadd.s32 $0xFFFFE003, lr  }
0x1b: {  	s9 =	sadd.s32 $0xFFFFFEF7, lr;
	s5 =	simm.s32 $0xFFFFFFFF;
	p2 =	slt.u32 s8, $0xFFFFF086  }
0x1c: {  	p1 =	slt.u32 s9, $0xF7A;
	s5 =	simm.s32 @!p2 $0x0  }
0x1d: {  	s5 =	simm.s32 @p1 $0x1;
	p0 =	seq.s32 s7, s2  }
0x1e: {  	s7 =	smul.u32 @!p0 $0xF7A, s2;
	p2 =	seq.s32 @!p0 s5, $0x0  }
0x1f: {  	s9 =	smul.u32 $0xF7A, s1;
	s8 =	simm.s32 @!p0 $0x1BF5;
	p2 =	por !p2, p0  }
0x20: {  	[sflag:s8] =	ssyncset.s32 @!p0 $0xFFFFF086;
	s6 =	sadd.s32 @!p0 s3, s7;
	s7 =	simm.s32 @!p0 $0x108  }
0x21: {  	s3 =	sadd.s32 s3, s9;
	s6 =	sadd.s32 @!p0 $0x88, s6;
	s7 =	simm.s32 @p2 $0x1082  }
0x22: {  	[simem:s7], [sflag:s8] =	dma.local @!p0 [hbm:s6], $0xF7A  }
0x23: {  	s9 =	sor.u32 $0xD0000000, s2;
	s6 =	simm.s32 $0x108;
	_ =	swait.ge @!p0 [sflag:s8], $0x0  }
0x24: {  	s3 =	sadd.s32 $0x88, s3;
	s6 =	simm.s32 @!p1 $0x1082;
	[sflag:s4] =	ssyncset.s32 $0xFFFFF086  }
0x25: {  	[simem:s6], [sflag:s4] =	dma.local [hbm:s3], $0xF7A  }
0x26: {  	[smem:$0x3F9B] =	sst s1;
	(tag) =	ssettag s2;
	_ =	strace s9  }
0x27: {  	s1 =	sld [smem:$0x3FAB]  }
0x28: {  	s2 =	sld [smem:$0x3FAC]  }
0x29: {  	s4 =	sld [smem:$0x3FAE]  }
0x2a: {  	p0 =	seq.s32 s5, $0x0;
	s5 =	sld [smem:$0x3FAF]  }
0x2b: {  	s6 =	sld [smem:$0x3FB0]  }
0x2c: {  	s7 =	sld [smem:$0x3FB1]  }
0x2d: {  	s3 =	simm.s32 $0x108;
	s8 =	sld [smem:$0x3FB2]  }
0x2e: {  	s3 =	simm.s32 @!p0 $0x1082;
	s9 =	sld [smem:$0x3FB3]  }
0x2f: {  	lr =	sadd.s32 s0, s3;
	s0 =	sld [smem:$0x3FAA]  }
0x30: {  	s3 =	sld [smem:$0x3FAD]  }
0x31: {  	[smem:$0x3FB6] =	sst s10  }
0x32: {  	s10 =	sld [smem:$0x3FB4];
	_ =	sdelay $0x3  }
0x33: {  	p0 =	seq.s32 s10, $0x1;
	s10 =	sld [smem:$0x3FB6];
	_ =	sdelay $0x3  }
0x34: {  	[smem:$0x3FB6] =	sst s10  }
0x35: {  	s10 =	sld [smem:$0x3FB5];
	_ =	sdelay $0x3  }
0x36: {  	p1 =	seq.s32 s10, $0x1;
	s10 =	sld [smem:$0x3FB6];
	_ =	sdelay $0x3  }
0x37: {  	[smem:$0x3FB6] =	sst s10  }
0x38: {  	s10 =	sld [smem:$0x3FB7]  }
0x39: {  	_ = 	snop;
	(pc) =	sbr.ind lr, $3  }
0x3a: {  	_ = 	snop  }
0x3b: {  	_ = 	snop  }
0x3c: {  	p2 =	seq.s32 s10, $0x1;
	s10 =	sld [smem:$0x3FB6]  }
0x3d: {  	_ =	shalt  }
0x3e: {  	_ =	shalt  }
0x3f: {  	_ =	shalt  }
0x40: {  	_ =	shalt  }
0x41: {  	_ =	shalt  }
0x42: {  	_ =	shalt  }
0x43: {  	_ =	shalt  }
0x44: {  	_ =	shalt  }
0x45: {  	_ =	shalt  }
0x46: {  	_ =	shalt  }
0x47: {  	_ =	shalt  }
0x48: {  	_ =	shalt  }
0x49: {  	_ =	shalt  }
0x4a: {  	_ =	shalt  }
0x4b: {  	_ =	shalt  }
0x4c: {  	_ =	shalt  }
0x4d: {  	_ =	shalt  }
0x4e: {  	_ =	shalt  }
0x4f: {  	_ =	shalt  }
0x50: {  	_ =	shalt  }
0x51: {  	_ =	shalt  }
0x52: {  	_ =	shalt  }
0x53: {  	_ =	shalt  }
0x54: {  	_ =	shalt  }
0x55: {  	_ =	shalt  }
0x56: {  	_ =	shalt  }
0x57: {  	_ =	shalt  }
0x58: {  	_ =	shalt  }
0x59: {  	_ =	shalt  }
0x5a: {  	_ =	shalt  }
0x5b: {  	_ =	shalt  }
0x5c: {  	_ =	shalt  }
0x5d: {  	_ =	shalt  }
0x5e: {  	_ =	shalt  }
0x5f: {  	_ =	shalt  }
0x60: {  	_ =	shalt  }
0x61: {  	_ =	shalt  }
0x62: {  	_ =	shalt  }
0x63: {  	_ =	shalt  }
0x64: {  	_ =	shalt  }
0x65: {  	_ =	shalt  }
0x66: {  	_ =	shalt  }
0x67: {  	_ =	shalt  }
0x68: {  	_ =	shalt  }
0x69: {  	_ =	shalt  }
0x6a: {  	_ =	shalt  }
0x6b: {  	_ =	shalt  }
0x6c: {  	_ =	shalt  }
0x6d: {  	_ =	shalt  }
0x6e: {  	_ =	shalt  }
0x6f: {  	_ =	shalt  }
0x70: {  	_ =	shalt  }
0x71: {  	_ =	shalt  }
0x72: {  	_ =	shalt  }
0x73: {  	_ =	shalt  }
0x74: {  	_ =	shalt  }
0x75: {  	_ =	shalt  }
0x76: {  	_ =	shalt  }
0x77: {  	_ =	shalt  }
0x78: {  	_ =	shalt  }
0x79: {  	_ =	shalt  }
0x7a: {  	_ =	shalt  }
0x7b: {  	_ =	shalt  }
0x7c: {  	_ =	shalt  }
0x7d: {  	_ =	shalt  }
0x7e: {  	_ =	shalt  }
0x7f: {  	_ =	shalt  }
0x80: {  	_ =	shalt  }
0x81: {  	_ =	shalt  }
0x82: {  	_ =	shalt  }
0x83: {  	_ =	shalt  }
0x84: {  	_ =	shalt  }
0x85: {  	_ =	shalt  }
0x86: {  	_ =	shalt  }
0x87: {  	_ =	shalt  }
.Lfunc_end0:
.L_simem_size_0:
called_computation.1_lowered:
.L_overlay_start_0:
0x88: {  	s2 =	sld [smem:$0x3FD9]  }
0x89: {  	s3 =	sld [smem:$0x3FFE];
	_ =	sdelay $0x1  }
0x8a: {  	s1 =	srdreg.scid  }
0x8b: {  	s0 =	sand.u32 $0x1, s1  }
0x8c: {  	s17 =	sshll.u32 s0, $0xA;
	s2 =	sadd.s32 s3, s2  }
0x8d: {  	s2 =	sadd.s32 s2, s17  }
0x8e: {  	[smem:$0x3FC2] =	sst s2  }
0x8f: {  	_ = 	snop  }
0x90: {  	s2 =	sld [smem:$0x3FD0];
	(tm) =	ssettm $0x1  }
0x91: {  	s18 =	sld [smem:$0x3FFB];
	_ =	sdelay $0x3  }
0x92: {  	_ =	strace s18  }
0x93: {  	s3 =	sld [smem:$0x3FFC];
	_ =	sdelay $0x3  }
0x94: {  	_ =	strace s3  }
0x95: {  	s3 =	sld [smem:$0x3FFD];
	_ =	sdelay $0x3  }
0x96: {  	_ =	strace s3  }
0x97: {  	_ =	strace $0x8FFFFFFF  }
0x98: {  	s19 =	sld [smem:$0x3FDB];
	_ =	sdelay $0x1  }
0x99: {  	s4 =	simm.s32 $_scs_section_size  }
0x9a: {  	s5 =	simm.s32 $_size__tile_overlayer_lowered;
	s6 =	simm.s32 $_tile_overlayer_lowered  }
0x9b: {  	s22 =	simm.s32 $0x1BFF;
	s21 =	sshll.u32 s6, $0x1;
	s3 =	sadd.s32 s4, s19  }
0x9c: {  	s7 =	simm.s32 $0x0;
	s20 =	sshll.u32 s5, $0x1;
	s5 =	sadd.s32 s21, s3  }
0x9d: {  	[timem:s7], [sflag:s22] =	dma.local [hbm:s5], s20  }
0x9e: {  	_ =	swait.ge [sflag:s22], s20  }
0x9f: {  	s4 =	ssub.s32 $0x0, s20;
	[sflag:s22] =	ssyncset.done $0x0  }
0xa0: {  	[sflag:s22] =	ssyncadd.s32 s4;
	_ =	sdelay $0x1  }
0xa1: {  	s23 =	simm.s32 $0x1B8B  }
0xa2: {  	_ =	swait.ge [sflag:s23], $0x1  }
0xa3: {  	[sflag:s23] =	ssyncset.done $0x0  }
0xa4: {  	s25 =	simm.s32 $0x1B8E;
	s24 =	sld [smem:$0x3FFE];
	[sflag:s23] =	ssyncadd.s32 $0xFFFFFFFF  }
0xa5: {  	s26 =	simm.s32 $execute0_lowered;
	[smem:$0x3FD2] =	sst s25  }
0xa6: {  	s5 =	sshll.u32 s26, $0x1;
	_ =	strace $0x80000049;
	[dreg:$0x1] =	wrdreg $0xFFFFFFFF  }
0xa7: {  	s28 =	simm.s32 $_size_execute0_lowered;
	s3 =	sadd.s32 s3, s5;
	[dreg:$0x0] =	wrdreg $0x0  }
0xa8: {  	s5 =	sshll.u32 s28, $0x1;
	[dreg:$0x2] =	wrdreg s3  }
0xa9: {  	[dreg:$0x3] =	wrdreg s5  }
0xaa: {  	[dreg:$0x4] =	wrdreg $0xC0  }
0xab: {  	_ =	task [dreg:s7], $0x5FFFF  }
0xac: {  	[dreg:$0x1] =	wrdreg $0xFFFFFFFF  }
0xad: {  	[dreg:$0x0] =	wrdreg $0x60  }
0xae: {  	[dreg:$0x2] =	wrdreg s2  }
0xaf: {  	[dreg:$0x3] =	wrdreg s24  }
0xb0: {  	[dreg:$0x4] =	wrdreg $0xA0000  }
0xb1: {  	[dreg:$0x5] =	wrdreg $0x9  }
0xb2: {  	_ =	task.clear_ibuf [dreg:s7], $0x6FFFF;
	_ =	strace $0x90000049  }
0xb3: {  	s29 =	simm.s32 $0x9;
	_ =	strace $0x8000004B  }
0xb4: {  	_ =	swait.ge [sflag:s29], $0x1  }
0xb5: {  	[sflag:s29] =	ssyncadd.s32 $0xFFFFFFFF  }
0xb6: {  	_ =	strace $0x9000004B  }
0xb7: {  	_ =	sfence  }
0xb8: {  	s30 =	sld [smem:$0x0];
	_ =	sdelay $0x2  }
0xb9: {  	s31 =	sshll.u32 s1, $0xD;
	s1 =	sshrl.u32 s1, $0x2  }
0xba: {  	s3 =	sand.u32 $0x4000, s31;
	s1 =	sadd.s32 s1, s30  }
0xbb: {  	s0 =	sor.u32 s3, s0;
	s1 =	sshll.u32 s1, $0x11  }
0xbc: {  	s0 =	sor.u32 s1, s0  }
0xbd: {  	s0 =	sadd.s32 $0x8F2B, s0  }
0xbe: {  	[sflag:s0] =	ssyncadd.remote.s32 $0x1  }
0xbf: {  	_ =	sfence.sel $0xFFFF  }
0xc0: {  	[dreg:$0x0] =	wrdreg $0xFFFFFFFF;
	(pc) =	sbr.abs _section_cstart, $3  }
0xc1: {  	[dreg:$0x1] =	wrdreg $0xFFFFFFFF  }
0xc2: {  	_ =	task.clear_ibuf [dreg:s7], $0x2FFFF;
	_ =	strace $0x9FFFFFFF  }
0xc3: {  	(tm) =	ssettm $0x7FFFFFFF  }
tec
execute0_lowered:
.L_overlay_start_1:
0x0: {  	(tag) =	ssettag $0x1  }
0x1: {  	s1 =	rddreg [dreg:$0x0]  }
0x2: {  	s0 =	rddreg [dreg:$0x1]  }
0x3: {  	s2 =	rddreg [dreg:$0x2]  }
0x4: {  	s3 =	srdreg.scid;
	s4 =	simm.s32 $0x0;
	s11 =	stileid.u32  }
0x5: {  	s13 =	simm.s32 $0x5;
	s14 =	simm.s32 $0x1000;
	s15 =	simm.s32 $0x40  }
0x6: {  	s16 =	simm.s32 $0x2000;
	s17 =	simm.s32 $0x80;
	s18 =	simm.s32 $0x4000  }
0x7: {  	s19 =	simm.s32 $0x100;
	s20 =	simm.s32 $0x6000;
	s21 =	simm.s32 $0x180  }
0x8: {  	s28 =	simm.s32 $0x1E00;
	s29 =	simm.s32 $0x1E80;
	s30 =	simm.s32 $0x1F00  }
0x9: {  	s31 =	simm.s32 $0x1F80;
	s3 =	sand.u32 $0x1, s3;
	[smem:$0x7FF] =	sst s4  }
0xa: {  	s8 =	smul.u32 $0x14000, s11;
	s5 =	sadd.s32 $0xD600, s0;
	s6 =	sadd.s32 $0x21600, s0  }
0xb: {  	s9 =	sadd.s32 $0x2C00, s0;
	s10 =	smul.u32 $0x50000, s11;
	s26 =	sshll.u32 s11, $0x6  }
0xc: {  	s7 =	smul.u32 $0x140000, s3;
	_ =	strace $0x8000004A;
	s22 =	ssub.s32 $0x2, s3  }
0xd: {  	[dreg:$0x4] =	wrdreg s9;
	s3 =	sshll.u32 s3, $0x4;
	s23 =	sshrl.u32 s22, $0x1  }
0xe: {  	s3 =	sor.u32 s11, s3;
	s25 =	sshrl.u32 s10, $0x2;
	s7 =	sadd.s32 s8, s7  }
0xf: {  	s24 =	ssub.s32 s22, s23;
	s12 =	sadd.s32 s25, s2;
	s8 =	sor.u32 $0x1C05, s26  }
0x10: {  	s9 =	smul.u32 $0x5000, s3;
	s22 =	simm.s32 $0x8000;
	s7 =	sshrl.u32 s7, $0x3  }
0x11: {  	s23 =	simm.s32 $0x1;
	s25 =	simm.s32 $0x3;
	s0 =	sadd.s32 s7, s0  }
0x12: {  	s26 =	simm.s32 $0x4;
	s11 =	smax.u32 s24, $0x1;
	s0 =	sadd.s32 $0x49600, s0  }
0x13: {  	s12 =	sshrl.u32 s12, $0x3;
	s24 =	simm.s32 $0x2;
	[dreg:$0x5] =	wrdreg s0  }
.LBB2_1:
0x14: {  	s0 =	rddreg [dreg:$0x4]  }
0x15: {  	[spmem:s12], [sflag:s8] =	dma.local [hbm:s0], $0x2800  }
0x16: {  	_ =	swait.ge [sflag:s13], $0x2800  }
0x17: {  	[sflag:s13] =	ssyncset.done $0x0  }
0x18: {  	[sflag:s13] =	ssyncadd.s32 $0xFFFFD800  }
0x19: {  	s0 =	simm.s32 $0x0;
	[bflag:$0x0] =	sbarrier.arrive $0xFFFF  }
.LBB2_2:
0x1a: {  	s3 =	sshll.u32 s0, $0xC  }
0x1b: {  	s3 =	sadd.s32 s9, s3  }
0x1c: {  	s3 =	sshrl.u32 s3, $0x3  }
0x1d: {  	s10 =	simm.s32 $0x0;
	s7 =	sadd.s32 s1, s3  }
0x1e: {  	[tilespmem:s10], [sflag:$0x5] =	stream.linear.gather [hbm4b:s7+s10], $0x1000, $0x38;
	[tilespmem:$0x1E000] =	vst v63  }
0x1f: {  	_ =	swait.ge [sflag:s13], $0x1000  }
0x20: {  	[sflag:s13] =	ssyncset.done $0x0  }
0x21: {  	s3 =	sadd.s32 s5, s3;
	[sflag:s13] =	ssyncadd.s32 $0xFFFFF000  }
0x22: {  	[tilespmem:s14], [sflag:$0x5] =	stream.linear.gather [hbm4b:s3+s10], $0x1000, $0x38;
	[tilespmem:$0x1E000] =	vst v63  }
0x23: {  	_ =	swait.ge [sflag:s13], $0x1000  }
0x24: {  	[sflag:s13] =	ssyncset.done $0x0  }
0x25: {  	[sflag:s13] =	ssyncadd.s32 $0xFFFFF000  }
0x26: {  	[tilespmem:s16], [sflag:$0x1] =	stream.indirect.gather [hbm4b:s6+s15], $0x80, s10, s15, $0xb8;
	[tilespmem:$0x1E000] =	vst v63  }
0x27: {  	_ = 	snop  }
0x28: {  	[tilespmem:s18], [sflag:$0x2] =	stream.indirect.gather [hbm4b:s6+s15], $0x80, s17, s15, $0xb8;
	[tilespmem:$0x1E000] =	vst v63  }
0x29: {  	_ = 	snop  }
0x2a: {  	[tilespmem:s20], [sflag:$0x3] =	stream.indirect.gather [hbm4b:s6+s15], $0x80, s19, s15, $0xb8;
	[tilespmem:$0x1E000] =	vst v63  }
0x2b: {  	_ = 	snop  }
0x2c: {  	[tilespmem:s22], [sflag:$0x4] =	stream.indirect.gather [hbm4b:s6+s15], $0x80, s21, s15, $0xb8;
	[tilespmem:$0x1E000] =	vst v63  }
0x2d: {  	_ =	swait.ge [sflag:s23], $0x2000  }
0x2e: {  	[sflag:s23] =	ssyncset.done $0x0  }
0x2f: {  	s10 =	simm.s32 $0x1000;
	[sflag:s23] =	ssyncadd.s32 $0xFFFFE000  }
0x30: {  	[spmem:s2] =	stream.indirect.scatter.add.f32 [tilespmem:s16], [sflag:$0x5], $0x80, s10, s15, $0xb8;
	[tilespmem:$0x1E000] =	vst v63  }
0x31: {  	_ =	swait.ge [sflag:s13], $0x2000  }
0x32: {  	[sflag:s13] =	ssyncset.done $0x0  }
0x33: {  	s7 =	simm.s32 $0x200;
	[sflag:s13] =	ssyncadd.s32 $0xFFFFE000  }
0x34: {  	[tilespmem:s16], [sflag:$0x1] =	stream.indirect.gather [hbm4b:s6+s15], $0x80, s7, s15, $0xb8;
	[tilespmem:$0x1E000] =	vst v63  }
0x35: {  	_ =	swait.ge [sflag:s24], $0x2000  }
0x36: {  	[sflag:s24] =	ssyncset.done $0x0  }
0x37: {  	s10 =	simm.s32 $0x1080;
	[sflag:s24] =	ssyncadd.s32 $0xFFFFE000  }
0x38: {  	[spmem:s2] =	stream.indirect.scatter.add.f32 [tilespmem:s18], [sflag:$0x5], $0x80, s10, s15, $0xb8;
	[tilespmem:$0x1E000] =	vst v63  }
0x39: {  	_ =	swait.ge [sflag:s13], $0x2000  }
0x3a: {  	[sflag:s13] =	ssyncset.done $0x0  }
0x3b: {  	s7 =	simm.s32 $0x280;
	[sflag:s13] =	ssyncadd.s32 $0xFFFFE000  }
0x3c: {  	[tilespmem:s18], [sflag:$0x2] =	stream.indirect.gather [hbm4b:s6+s15], $0x80, s7, s15, $0xb8;
	[tilespmem:$0x1E000] =	vst v63  }
0x3d: {  	_ =	swait.ge [sflag:s25], $0x2000  }
0x3e: {  	[sflag:s25] =	ssyncset.done $0x0  }
0x3f: {  	s10 =	simm.s32 $0x1100;
	[sflag:s25] =	ssyncadd.s32 $0xFFFFE000  }
0x40: {  	[spmem:s2] =	stream.indirect.scatter.add.f32 [tilespmem:s20], [sflag:$0x5], $0x80, s10, s15, $0xb8;
	[tilespmem:$0x1E000] =	vst v63  }
0x41: {  	_ =	swait.ge [sflag:s13], $0x2000  }
0x42: {  	[sflag:s13] =	ssyncset.done $0x0  }
0x43: {  	s7 =	simm.s32 $0x300;
	[sflag:s13] =	ssyncadd.s32 $0xFFFFE000  }
0x44: {  	[tilespmem:s20], [sflag:$0x3] =	stream.indirect.gather [hbm4b:s6+s15], $0x80, s7, s15, $0xb8;
	[tilespmem:$0x1E000] =	vst v63  }
0x45: {  	_ =	swait.ge [sflag:s26], $0x2000  }
0x46: {  	[sflag:s26] =	ssyncset.done $0x0  }
0x47: {  	s10 =	simm.s32 $0x1180;
	[sflag:s26] =	ssyncadd.s32 $0xFFFFE000  }
0x48: {  	[spmem:s2] =	stream.indirect.scatter.add.f32 [tilespmem:s22], [sflag:$0x5], $0x80, s10, s15, $0xb8;
	[tilespmem:$0x1E000] =	vst v63  }
0x49: {  	_ =	swait.ge [sflag:s13], $0x2000  }
0x4a: {  	[sflag:s13] =	ssyncset.done $0x0  }
0x4b: {  	s3 =	simm.s32 $0x800;
	s7 =	simm.s32 $0x380;
	[sflag:s13] =	ssyncadd.s32 $0xFFFFE000  }
.LBB2_3:
0x4c: {  	[tilespmem:s22], [sflag:$0x4] =	stream.indirect.gather [hbm4b:s6+s15], $0x80, s7, s15, $0xb8;
	[tilespmem:$0x1E000] =	vst v63  }
0x4d: {  	s7 =	smov.u32 s3  }
0x4e: {  	p0 =	sne.s32 s3, $0x3000;
	s3 =	sadd.s32 $0x800, s3;
	_ =	swait.ge [sflag:s23], $0x2000  }
0x4f: {  	s7 =	sshra.s32 s7, $0x2;
	[sflag:s23] =	ssyncset.done $0x0  }
0x50: {  	s10 =	sadd.s32 $0x1000, s7;
	[sflag:s23] =	ssyncadd.s32 $0xFFFFE000  }
0x51: {  	[spmem:s2] =	stream.indirect.scatter.add.f32 [tilespmem:s16], [sflag:$0x5], $0x80, s10, s15, $0xb8;
	[tilespmem:$0x1E000] =	vst v63  }
0x52: {  	_ =	swait.ge [sflag:s13], $0x2000  }
0x53: {  	[sflag:s13] =	ssyncset.done $0x0  }
0x54: {  	s10 =	sadd.s32 $0x200, s7;
	[sflag:s13] =	ssyncadd.s32 $0xFFFFE000  }
0x55: {  	[tilespmem:s16], [sflag:$0x1] =	stream.indirect.gather [hbm4b:s6+s15], $0x80, s10, s15, $0xb8;
	[tilespmem:$0x1E000] =	vst v63  }
0x56: {  	_ =	swait.ge [sflag:s24], $0x2000  }
0x57: {  	[sflag:s24] =	ssyncset.done $0x0  }
0x58: {  	s10 =	sadd.s32 $0x1080, s7;
	[sflag:s24] =	ssyncadd.s32 $0xFFFFE000  }
0x59: {  	[spmem:s2] =	stream.indirect.scatter.add.f32 [tilespmem:s18], [sflag:$0x5], $0x80, s10, s15, $0xb8;
	[tilespmem:$0x1E000] =	vst v63  }
0x5a: {  	_ =	swait.ge [sflag:s13], $0x2000  }
0x5b: {  	[sflag:s13] =	ssyncset.done $0x0  }
0x5c: {  	s10 =	sadd.s32 $0x280, s7;
	[sflag:s13] =	ssyncadd.s32 $0xFFFFE000  }
0x5d: {  	[tilespmem:s18], [sflag:$0x2] =	stream.indirect.gather [hbm4b:s6+s15], $0x80, s10, s15, $0xb8;
	[tilespmem:$0x1E000] =	vst v63  }
0x5e: {  	_ =	swait.ge [sflag:s25], $0x2000  }
0x5f: {  	[sflag:s25] =	ssyncset.done $0x0  }
0x60: {  	s10 =	sadd.s32 $0x1100, s7;
	[sflag:s25] =	ssyncadd.s32 $0xFFFFE000  }
0x61: {  	[spmem:s2] =	stream.indirect.scatter.add.f32 [tilespmem:s20], [sflag:$0x5], $0x80, s10, s15, $0xb8;
	[tilespmem:$0x1E000] =	vst v63  }
0x62: {  	_ =	swait.ge [sflag:s13], $0x2000  }
0x63: {  	[sflag:s13] =	ssyncset.done $0x0  }
0x64: {  	s10 =	sadd.s32 $0x300, s7;
	[sflag:s13] =	ssyncadd.s32 $0xFFFFE000  }
0x65: {  	[tilespmem:s20], [sflag:$0x3] =	stream.indirect.gather [hbm4b:s6+s15], $0x80, s10, s15, $0xb8;
	[tilespmem:$0x1E000] =	vst v63  }
0x66: {  	_ =	swait.ge [sflag:s26], $0x2000  }
0x67: {  	[sflag:s26] =	ssyncset.done $0x0  }
.Ltmp0:
0x68: {  	s10 =	sadd.s32 $0x1180, s7;
	[sflag:s26] =	ssyncadd.s32 $0xFFFFE000;
	(pc) =	sbr.rel @p0 .LBB2_3-.Ltmp0, $4  }
0x69: {  	[spmem:s2] =	stream.indirect.scatter.add.f32 [tilespmem:s22], [sflag:$0x5], $0x80, s10, s15, $0xb8;
	[tilespmem:$0x1E000] =	vst v63  }
0x6a: {  	_ =	swait.ge [sflag:s13], $0x2000  }
0x6b: {  	[sflag:s13] =	ssyncset.done $0x0  }
0x6c: {  	s7 =	sadd.s32 $0x380, s7;
	[sflag:s13] =	ssyncadd.s32 $0xFFFFE000  }
0x6d: {  	[tilespmem:s22], [sflag:$0x4] =	stream.indirect.gather [hbm4b:s6+s15], $0x80, s7, s15, $0xb8;
	[tilespmem:$0x1E000] =	vst v63  }
0x6e: {  	_ =	swait.ge [sflag:s23], $0x2000  }
0x6f: {  	[sflag:s23] =	ssyncset.done $0x0  }
0x70: {  	[sflag:s23] =	ssyncadd.s32 $0xFFFFE000  }
0x71: {  	[spmem:s2] =	stream.indirect.scatter.add.f32 [tilespmem:s16], [sflag:$0x5], $0x80, s28, s15, $0xb8;
	[tilespmem:$0x1E000] =	vst v63  }
0x72: {  	_ =	swait.ge [sflag:s13], $0x2000  }
0x73: {  	[sflag:s13] =	ssyncset.done $0x0  }
0x74: {  	[sflag:s13] =	ssyncadd.s32 $0xFFFFE000  }
0x75: {  	_ =	swait.ge [sflag:s24], $0x2000  }
0x76: {  	[sflag:s24] =	ssyncset.done $0x0  }
0x77: {  	[sflag:s24] =	ssyncadd.s32 $0xFFFFE000  }
0x78: {  	[spmem:s2] =	stream.indirect.scatter.add.f32 [tilespmem:s18], [sflag:$0x5], $0x80, s29, s15, $0xb8;
	[tilespmem:$0x1E000] =	vst v63  }
0x79: {  	_ =	swait.ge [sflag:s13], $0x2000  }
0x7a: {  	[sflag:s13] =	ssyncset.done $0x0  }
0x7b: {  	[sflag:s13] =	ssyncadd.s32 $0xFFFFE000  }
0x7c: {  	_ =	swait.ge [sflag:s25], $0x2000  }
0x7d: {  	[sflag:s25] =	ssyncset.done $0x0  }
0x7e: {  	[sflag:s25] =	ssyncadd.s32 $0xFFFFE000  }
0x7f: {  	[spmem:s2] =	stream.indirect.scatter.add.f32 [tilespmem:s20], [sflag:$0x5], $0x80, s30, s15, $0xb8;
	[tilespmem:$0x1E000] =	vst v63  }
0x80: {  	_ =	swait.ge [sflag:s13], $0x2000  }
0x81: {  	[sflag:s13] =	ssyncset.done $0x0  }
0x82: {  	[sflag:s13] =	ssyncadd.s32 $0xFFFFE000  }
0x83: {  	s0 =	sadd.s32 $0x1, s0;
	_ =	swait.ge [sflag:s26], $0x2000  }
0x84: {  	p0 =	sne.s32 s0, $0x5;
	[sflag:s26] =	ssyncset.done $0x0  }
.Ltmp1:
0x85: {  	[sflag:s26] =	ssyncadd.s32 $0xFFFFE000;
	(pc) =	sbr.rel @p0 .LBB2_2-.Ltmp1, $4  }
0x86: {  	[spmem:s2] =	stream.indirect.scatter.add.f32 [tilespmem:s22], [sflag:$0x5], $0x80, s31, s15, $0xb8;
	[tilespmem:$0x1E000] =	vst v63  }
0x87: {  	_ =	swait.ge [sflag:s13], $0x2000  }
0x88: {  	[sflag:s13] =	ssyncset.done $0x0  }
0x89: {  	[sflag:s13] =	ssyncadd.s32 $0xFFFFE000  }
0x8a: {  	s4 =	sadd.s32 $0x1, s4  }
0x8b: {  	[bflag:$0x0] =	sbarrier.arrive $0xFFFF;
	p0 =	sne.s32 s4, s11  }
.Ltmp2:
0x8c: {  	s0 =	rddreg [dreg:$0x5];
	(pc) =	sbr.rel @p0 .LBB2_1-.Ltmp2, $4  }
0x8d: {  	[hbm:s0], [sflag:s8] =	dma.local [spmem:s12], $0x2800  }
0x8e: {  	_ =	swait.ge [sflag:s13], $0x2800  }
0x8f: {  	[sflag:s13] =	ssyncset.done $0x0  }
0x90: {  	[sflag:s13] =	ssyncadd.s32 $0xFFFFD800  }
0x91: {  	_ =	sfence.sel $0x180000  }
0x92: {  	[bflag:$0x0] =	sbarrier.arrive $0xFFFF  }
0x93: {  	_ =	strace $0x9000004A  }
0x94: {  	s0 =	stileid.u32;
	[bflag:$0x2] =	sbarrier.arrive $0xFFFF  }
0x95: {  	p0 =	sne.s32 s0, $0x0;
	s0 =	rddreg [dreg:$0x3]  }
0x96: {  	s0 =	sadd.s32 @!p0 $0x100000, s0  }
0x97: {  	[sflag:s0] =	ssyncadd.tile.s32 @!p0 $0x1;
	_ =	shalt  }
.Lfunc_end2:
_tile_overlayer_lowered:
.L_overlay_start_2:
0x98: {  	(tag) =	ssettag $0x2  }
0x99: {  	s0 =	rddreg [dreg:$0x0];
	s2 =	stileid.u32  }
0x9a: {  	s1 =	rddreg [dreg:$0x1];
	p0 =	sne.s32 s2, $0x0  }
0x9b: {  	s3 =	rddreg [dreg:$0x2];
	[bflag:$0x3] =	sbarrier.arrive $0xFFFF;
	s2 =	simm.s32 @!p0 $0x1C05  }
0x9c: {  	[timem:s3], [sflag:s2] =	dma.local @!p0 [hbm:s0], s1  }
0x9d: {  	s0 =	simm.s32 @!p0 $0x5  }
0x9e: {  	_ =	swait.ge @!p0 [sflag:s0], s1  }
0x9f: {  	s1 =	ssub.s32 @!p0 $0x0, s1;
	[sflag:s0] =	ssyncset.done @!p0 $0x0  }
0xa0: {  	[sflag:s0] =	ssyncadd.s32 @!p0 s1  }
0xa1: {  	[bflag:$0x3] =	sbarrier.arrive $0xFFFF  }
0xa2: {  	_ =	shalt  }

// kernel: kernel.14.cloned.1.call-start
scs
__scs_entry_jumppad:
0x0: {  	(pc) =	sbr.rel $0x88, $3  }
0x1: {  	(tag) =	ssettag $0x0;
	lr =	simm.s32 $0x1  }
0x2: {  	[smem:$0x3F9B] =	sst lr;
	_ =	strace $0xD0000000  }
0x3: {  	_ = 	snop  }
0x4: {  	_ = 	snop  }
0x5: {  	_ = 	snop  }
0x6: {  	_ = 	snop  }
0x7: {  	_ = 	snop  }
__scs_overlays_trampoline_lowered:
0x8: {  	[smem:$0x3FAA] =	sst s0  }
0x9: {  	[smem:$0x3FAB] =	sst s1  }
0xa: {  	[smem:$0x3FAC] =	sst s2  }
0xb: {  	[smem:$0x3FAD] =	sst s3  }
0xc: {  	[smem:$0x3FAE] =	sst s4  }
0xd: {  	[smem:$0x3FAF] =	sst s5  }
0xe: {  	[smem:$0x3FB0] =	sst s6  }
0xf: {  	[smem:$0x3FB1] =	sst s7  }
0x10: {  	[smem:$0x3FB2] =	sst s8  }
0x11: {  	[smem:$0x3FB3] =	sst s9;
	s0 =	simm.s32 @!p0 $0x0  }
0x12: {  	s1 =	sld [smem:$0x3F99];
	s0 =	simm.s32 @p0 $0x1  }
0x13: {  	[smem:$0x3FB4] =	sst s0;
	s0 =	simm.s32 @!p1 $0x0  }
0x14: {  	s2 =	sld [smem:$0x3F98];
	s0 =	simm.s32 @p1 $0x1  }
0x15: {  	[smem:$0x3FB5] =	sst s0;
	s0 =	simm.s32 @!p2 $0x0  }
0x16: {  	s3 =	sld [smem:$0x3FDB];
	s0 =	simm.s32 @p2 $0x1  }
0x17: {  	s4 =	simm.s32 $0x1BF5;
	[smem:$0x3FB7] =	sst s0  }
0x18: {  	s0 =	sld [smem:$0x3F9A];
	_ =	swait.ge [sflag:s4], $0x0  }
0x19: {  	s7 =	sld [smem:$0x3F9B]  }
0x1a: {  	s8 =	sadd.s32 $0xFFFFE003, lr  }
0x1b: {  	s9 =	sadd.s32 $0xFFFFFEF7, lr;
	s5 =	simm.s32 $0xFFFFFFFF;
	p2 =	slt.u32 s8, $0xFFFFF086  }
0x1c: {  	p1 =	slt.u32 s9, $0xF7A;
	s5 =	simm.s32 @!p2 $0x0  }
0x1d: {  	s5 =	simm.s32 @p1 $0x1;
	p0 =	seq.s32 s7, s2  }
0x1e: {  	s7 =	smul.u32 @!p0 $0xF7A, s2;
	p2 =	seq.s32 @!p0 s5, $0x0  }
0x1f: {  	s9 =	smul.u32 $0xF7A, s1;
	s8 =	simm.s32 @!p0 $0x1BF5;
	p2 =	por !p2, p0  }
0x20: {  	[sflag:s8] =	ssyncset.s32 @!p0 $0xFFFFF086;
	s6 =	sadd.s32 @!p0 s3, s7;
	s7 =	simm.s32 @!p0 $0x108  }
0x21: {  	s3 =	sadd.s32 s3, s9;
	s6 =	sadd.s32 @!p0 $0x88, s6;
	s7 =	simm.s32 @p2 $0x1082  }
0x22: {  	[simem:s7], [sflag:s8] =	dma.local @!p0 [hbm:s6], $0xF7A  }
0x23: {  	s9 =	sor.u32 $0xD0000000, s2;
	s6 =	simm.s32 $0x108;
	_ =	swait.ge @!p0 [sflag:s8], $0x0  }
0x24: {  	s3 =	sadd.s32 $0x88, s3;
	s6 =	simm.s32 @!p1 $0x1082;
	[sflag:s4] =	ssyncset.s32 $0xFFFFF086  }
0x25: {  	[simem:s6], [sflag:s4] =	dma.local [hbm:s3], $0xF7A  }
0x26: {  	[smem:$0x3F9B] =	sst s1;
	(tag) =	ssettag s2;
	_ =	strace s9  }
0x27: {  	s1 =	sld [smem:$0x3FAB]  }
0x28: {  	s2 =	sld [smem:$0x3FAC]  }
0x29: {  	s4 =	sld [smem:$0x3FAE]  }
0x2a: {  	p0 =	seq.s32 s5, $0x0;
	s5 =	sld [smem:$0x3FAF]  }
0x2b: {  	s6 =	sld [smem:$0x3FB0]  }
0x2c: {  	s7 =	sld [smem:$0x3FB1]  }
0x2d: {  	s3 =	simm.s32 $0x108;
	s8 =	sld [smem:$0x3FB2]  }
0x2e: {  	s3 =	simm.s32 @!p0 $0x1082;
	s9 =	sld [smem:$0x3FB3]  }
0x2f: {  	lr =	sadd.s32 s0, s3;
	s0 =	sld [smem:$0x3FAA]  }
0x30: {  	s3 =	sld [smem:$0x3FAD]  }
0x31: {  	[smem:$0x3FB6] =	sst s10  }
0x32: {  	s10 =	sld [smem:$0x3FB4];
	_ =	sdelay $0x3  }
0x33: {  	p0 =	seq.s32 s10, $0x1;
	s10 =	sld [smem:$0x3FB6];
	_ =	sdelay $0x3  }
0x34: {  	[smem:$0x3FB6] =	sst s10  }
0x35: {  	s10 =	sld [smem:$0x3FB5];
	_ =	sdelay $0x3  }
0x36: {  	p1 =	seq.s32 s10, $0x1;
	s10 =	sld [smem:$0x3FB6];
	_ =	sdelay $0x3  }
0x37: {  	[smem:$0x3FB6] =	sst s10  }
0x38: {  	s10 =	sld [smem:$0x3FB7]  }
0x39: {  	_ = 	snop;
	(pc) =	sbr.ind lr, $3  }
0x3a: {  	_ = 	snop  }
0x3b: {  	_ = 	snop  }
0x3c: {  	p2 =	seq.s32 s10, $0x1;
	s10 =	sld [smem:$0x3FB6]  }
0x3d: {  	_ =	shalt  }
0x3e: {  	_ =	shalt  }
0x3f: {  	_ =	shalt  }
0x40: {  	_ =	shalt  }
0x41: {  	_ =	shalt  }
0x42: {  	_ =	shalt  }
0x43: {  	_ =	shalt  }
0x44: {  	_ =	shalt  }
0x45: {  	_ =	shalt  }
0x46: {  	_ =	shalt  }
0x47: {  	_ =	shalt  }
0x48: {  	_ =	shalt  }
0x49: {  	_ =	shalt  }
0x4a: {  	_ =	shalt  }
0x4b: {  	_ =	shalt  }
0x4c: {  	_ =	shalt  }
0x4d: {  	_ =	shalt  }
0x4e: {  	_ =	shalt  }
0x4f: {  	_ =	shalt  }
0x50: {  	_ =	shalt  }
0x51: {  	_ =	shalt  }
0x52: {  	_ =	shalt  }
0x53: {  	_ =	shalt  }
0x54: {  	_ =	shalt  }
0x55: {  	_ =	shalt  }
0x56: {  	_ =	shalt  }
0x57: {  	_ =	shalt  }
0x58: {  	_ =	shalt  }
0x59: {  	_ =	shalt  }
0x5a: {  	_ =	shalt  }
0x5b: {  	_ =	shalt  }
0x5c: {  	_ =	shalt  }
0x5d: {  	_ =	shalt  }
0x5e: {  	_ =	shalt  }
0x5f: {  	_ =	shalt  }
0x60: {  	_ =	shalt  }
0x61: {  	_ =	shalt  }
0x62: {  	_ =	shalt  }
0x63: {  	_ =	shalt  }
0x64: {  	_ =	shalt  }
0x65: {  	_ =	shalt  }
0x66: {  	_ =	shalt  }
0x67: {  	_ =	shalt  }
0x68: {  	_ =	shalt  }
0x69: {  	_ =	shalt  }
0x6a: {  	_ =	shalt  }
0x6b: {  	_ =	shalt  }
0x6c: {  	_ =	shalt  }
0x6d: {  	_ =	shalt  }
0x6e: {  	_ =	shalt  }
0x6f: {  	_ =	shalt  }
0x70: {  	_ =	shalt  }
0x71: {  	_ =	shalt  }
0x72: {  	_ =	shalt  }
0x73: {  	_ =	shalt  }
0x74: {  	_ =	shalt  }
0x75: {  	_ =	shalt  }
0x76: {  	_ =	shalt  }
0x77: {  	_ =	shalt  }
0x78: {  	_ =	shalt  }
0x79: {  	_ =	shalt  }
0x7a: {  	_ =	shalt  }
0x7b: {  	_ =	shalt  }
0x7c: {  	_ =	shalt  }
0x7d: {  	_ =	shalt  }
0x7e: {  	_ =	shalt  }
0x7f: {  	_ =	shalt  }
0x80: {  	_ =	shalt  }
0x81: {  	_ =	shalt  }
0x82: {  	_ =	shalt  }
0x83: {  	_ =	shalt  }
0x84: {  	_ =	shalt  }
0x85: {  	_ =	shalt  }
0x86: {  	_ =	shalt  }
0x87: {  	_ =	shalt  }
.Lfunc_end0:
.L_simem_size_0:
called_computation.2_lowered:
.L_overlay_start_0:
0x88: {  	s2 =	sld [smem:$0x3FD9]  }
0x89: {  	s3 =	sld [smem:$0x3FFE];
	_ =	sdelay $0x1  }
0x8a: {  	s1 =	srdreg.scid  }
0x8b: {  	s0 =	sand.u32 $0x1, s1  }
0x8c: {  	s17 =	sshll.u32 s0, $0xA;
	s2 =	sadd.s32 s3, s2  }
0x8d: {  	s2 =	sadd.s32 s2, s17  }
0x8e: {  	[smem:$0x3FC2] =	sst s2  }
0x8f: {  	_ = 	snop  }
0x90: {  	s2 =	sld [smem:$0x3FD0];
	(tm) =	ssettm $0x1  }
0x91: {  	s18 =	sld [smem:$0x3FFB];
	_ =	sdelay $0x3  }
0x92: {  	_ =	strace s18  }
0x93: {  	s3 =	sld [smem:$0x3FFC];
	_ =	sdelay $0x3  }
0x94: {  	_ =	strace s3  }
0x95: {  	s3 =	sld [smem:$0x3FFD];
	_ =	sdelay $0x3  }
0x96: {  	_ =	strace s3  }
0x97: {  	_ =	strace $0x8FFFFFFF  }
0x98: {  	s19 =	sld [smem:$0x3FDB];
	_ =	sdelay $0x1  }
0x99: {  	s4 =	simm.s32 $_scs_section_size  }
0x9a: {  	s5 =	simm.s32 $_size__tile_overlayer_lowered;
	s6 =	simm.s32 $_tile_overlayer_lowered  }
0x9b: {  	s22 =	simm.s32 $0x1BFF;
	s21 =	sshll.u32 s6, $0x1;
	s3 =	sadd.s32 s4, s19  }
0x9c: {  	s7 =	simm.s32 $0x0;
	s20 =	sshll.u32 s5, $0x1;
	s5 =	sadd.s32 s21, s3  }
0x9d: {  	[timem:s7], [sflag:s22] =	dma.local [hbm:s5], s20  }
0x9e: {  	_ =	swait.ge [sflag:s22], s20  }
0x9f: {  	s4 =	ssub.s32 $0x0, s20;
	[sflag:s22] =	ssyncset.done $0x0  }
0xa0: {  	[sflag:s22] =	ssyncadd.s32 s4;
	_ =	sdelay $0x1  }
0xa1: {  	s23 =	simm.s32 $0x1B8B  }
0xa2: {  	_ =	swait.ge [sflag:s23], $0x1  }
0xa3: {  	[sflag:s23] =	ssyncset.done $0x0  }
0xa4: {  	s25 =	simm.s32 $0x1B8E;
	s24 =	sld [smem:$0x3FFE];
	[sflag:s23] =	ssyncadd.s32 $0xFFFFFFFF  }
0xa5: {  	s26 =	simm.s32 $execute0_lowered;
	[smem:$0x3FD2] =	sst s25  }
0xa6: {  	s5 =	sshll.u32 s26, $0x1;
	_ =	strace $0x8000004C;
	[dreg:$0x1] =	wrdreg $0xFFFFFFFF  }
0xa7: {  	s28 =	simm.s32 $_size_execute0_lowered;
	s3 =	sadd.s32 s3, s5;
	[dreg:$0x0] =	wrdreg $0x0  }
0xa8: {  	s5 =	sshll.u32 s28, $0x1;
	[dreg:$0x2] =	wrdreg s3  }
0xa9: {  	[dreg:$0x3] =	wrdreg s5  }
0xaa: {  	[dreg:$0x4] =	wrdreg $0xC0  }
0xab: {  	_ =	task [dreg:s7], $0x5FFFF  }
0xac: {  	[dreg:$0x1] =	wrdreg $0xFFFFFFFF  }
0xad: {  	[dreg:$0x0] =	wrdreg $0x60  }
0xae: {  	[dreg:$0x2] =	wrdreg s2  }
0xaf: {  	[dreg:$0x3] =	wrdreg s24  }
0xb0: {  	[dreg:$0x4] =	wrdreg $0xA0000  }
0xb1: {  	[dreg:$0x5] =	wrdreg $0x9  }
0xb2: {  	_ =	task.clear_ibuf [dreg:s7], $0x6FFFF;
	_ =	strace $0x9000004C  }
0xb3: {  	s29 =	simm.s32 $0x9;
	_ =	strace $0x8000004E  }
0xb4: {  	_ =	swait.ge [sflag:s29], $0x1  }
0xb5: {  	[sflag:s29] =	ssyncadd.s32 $0xFFFFFFFF  }
0xb6: {  	_ =	strace $0x9000004E  }
0xb7: {  	_ =	sfence  }
0xb8: {  	s30 =	sld [smem:$0x0];
	_ =	sdelay $0x2  }
0xb9: {  	s31 =	sshll.u32 s1, $0xD;
	s1 =	sshrl.u32 s1, $0x2  }
0xba: {  	s3 =	sand.u32 $0x4000, s31;
	s1 =	sadd.s32 s1, s30  }
0xbb: {  	s0 =	sor.u32 s3, s0;
	s1 =	sshll.u32 s1, $0x11  }
0xbc: {  	s0 =	sor.u32 s1, s0  }
0xbd: {  	s0 =	sadd.s32 $0x8F2B, s0  }
0xbe: {  	[sflag:s0] =	ssyncadd.remote.s32 $0x1  }
0xbf: {  	_ =	sfence.sel $0xFFFF  }
0xc0: {  	[dreg:$0x0] =	wrdreg $0xFFFFFFFF;
	(pc) =	sbr.abs _section_cstart, $3  }
0xc1: {  	[dreg:$0x1] =	wrdreg $0xFFFFFFFF  }
0xc2: {  	_ =	task.clear_ibuf [dreg:s7], $0x2FFFF;
	_ =	strace $0x9FFFFFFF  }
0xc3: {  	(tm) =	ssettm $0x7FFFFFFF  }
tec
execute0_lowered:
.L_overlay_start_1:
0x0: {  	(tag) =	ssettag $0x1  }
0x1: {  	s1 =	rddreg [dreg:$0x0]  }
0x2: {  	s0 =	rddreg [dreg:$0x1]  }
0x3: {  	s2 =	rddreg [dreg:$0x2]  }
0x4: {  	s3 =	srdreg.scid;
	s4 =	simm.s32 $0x0;
	s11 =	stileid.u32  }
0x5: {  	s13 =	simm.s32 $0x5;
	s14 =	simm.s32 $0x1000;
	s15 =	simm.s32 $0x40  }
0x6: {  	s16 =	simm.s32 $0x2000;
	s17 =	simm.s32 $0x80;
	s18 =	simm.s32 $0x4000  }
0x7: {  	s19 =	simm.s32 $0x100;
	s20 =	simm.s32 $0x6000;
	s21 =	simm.s32 $0x180  }
0x8: {  	s28 =	simm.s32 $0x1E00;
	s29 =	simm.s32 $0x1E80;
	s30 =	simm.s32 $0x1F00  }
0x9: {  	s31 =	simm.s32 $0x1F80;
	s3 =	sand.u32 $0x1, s3;
	[smem:$0x7FF] =	sst s4  }
0xa: {  	s8 =	smul.u32 $0x14000, s11;
	s5 =	sadd.s32 $0xD600, s0;
	s6 =	sadd.s32 $0x21600, s0  }
0xb: {  	s9 =	sadd.s32 $0x2C00, s0;
	s10 =	smul.u32 $0x50000, s11;
	s26 =	sshll.u32 s11, $0x6  }
0xc: {  	s7 =	smul.u32 $0x140000, s3;
	_ =	strace $0x8000004D;
	s22 =	ssub.s32 $0x2, s3  }
0xd: {  	[dreg:$0x4] =	wrdreg s9;
	s3 =	sshll.u32 s3, $0x4;
	s23 =	sshrl.u32 s22, $0x1  }
0xe: {  	s3 =	sor.u32 s11, s3;
	s25 =	sshrl.u32 s10, $0x2;
	s7 =	sadd.s32 s8, s7  }
0xf: {  	s24 =	ssub.s32 s22, s23;
	s12 =	sadd.s32 s25, s2;
	s8 =	sor.u32 $0x1C05, s26  }
0x10: {  	s9 =	smul.u32 $0x5000, s3;
	s22 =	simm.s32 $0x8000;
	s7 =	sshrl.u32 s7, $0x3  }
0x11: {  	s23 =	simm.s32 $0x1;
	s25 =	simm.s32 $0x3;
	s0 =	sadd.s32 s7, s0  }
0x12: {  	s26 =	simm.s32 $0x4;
	s11 =	smax.u32 s24, $0x1;
	s0 =	sadd.s32 $0x49600, s0  }
0x13: {  	s12 =	sshrl.u32 s12, $0x3;
	s24 =	simm.s32 $0x2;
	[dreg:$0x5] =	wrdreg s0  }
.LBB2_1:
0x14: {  	s0 =	rddreg [dreg:$0x4]  }
0x15: {  	[spmem:s12], [sflag:s8] =	dma.local [hbm:s0], $0x2800  }
0x16: {  	_ =	swait.ge [sflag:s13], $0x2800  }
0x17: {  	[sflag:s13] =	ssyncset.done $0x0  }
0x18: {  	[sflag:s13] =	ssyncadd.s32 $0xFFFFD800  }
0x19: {  	s0 =	simm.s32 $0x0;
	[bflag:$0x0] =	sbarrier.arrive $0xFFFF  }
.LBB2_2:
0x1a: {  	s3 =	sshll.u32 s0, $0xC  }
0x1b: {  	s3 =	sadd.s32 s9, s3  }
0x1c: {  	s3 =	sshrl.u32 s3, $0x3  }
0x1d: {  	s10 =	simm.s32 $0x0;
	s7 =	sadd.s32 s1, s3  }
0x1e: {  	[tilespmem:s10], [sflag:$0x5] =	stream.linear.gather [hbm4b:s7+s10], $0x1000, $0x38;
	[tilespmem:$0x1E000] =	vst v63  }
0x1f: {  	_ =	swait.ge [sflag:s13], $0x1000  }
0x20: {  	[sflag:s13] =	ssyncset.done $0x0  }
0x21: {  	s3 =	sadd.s32 s5, s3;
	[sflag:s13] =	ssyncadd.s32 $0xFFFFF000  }
0x22: {  	[tilespmem:s14], [sflag:$0x5] =	stream.linear.gather [hbm4b:s3+s10], $0x1000, $0x38;
	[tilespmem:$0x1E000] =	vst v63  }
0x23: {  	_ =	swait.ge [sflag:s13], $0x1000  }
0x24: {  	[sflag:s13] =	ssyncset.done $0x0  }
0x25: {  	[sflag:s13] =	ssyncadd.s32 $0xFFFFF000  }
0x26: {  	[tilespmem:s16], [sflag:$0x1] =	stream.indirect.gather [hbm4b:s6+s15], $0x80, s10, s15, $0xb8;
	[tilespmem:$0x1E000] =	vst v63  }
0x27: {  	_ = 	snop  }
0x28: {  	[tilespmem:s18], [sflag:$0x2] =	stream.indirect.gather [hbm4b:s6+s15], $0x80, s17, s15, $0xb8;
	[tilespmem:$0x1E000] =	vst v63  }
0x29: {  	_ = 	snop  }
0x2a: {  	[tilespmem:s20], [sflag:$0x3] =	stream.indirect.gather [hbm4b:s6+s15], $0x80, s19, s15, $0xb8;
	[tilespmem:$0x1E000] =	vst v63  }
0x2b: {  	_ = 	snop  }
0x2c: {  	[tilespmem:s22], [sflag:$0x4] =	stream.indirect.gather [hbm4b:s6+s15], $0x80, s21, s15, $0xb8;
	[tilespmem:$0x1E000] =	vst v63  }
0x2d: {  	_ =	swait.ge [sflag:s23], $0x2000  }
0x2e: {  	[sflag:s23] =	ssyncset.done $0x0  }
0x2f: {  	s10 =	simm.s32 $0x1000;
	[sflag:s23] =	ssyncadd.s32 $0xFFFFE000  }
0x30: {  	[spmem:s2] =	stream.indirect.scatter.add.f32 [tilespmem:s16], [sflag:$0x5], $0x80, s10, s15, $0xb8;
	[tilespmem:$0x1E000] =	vst v63  }
0x31: {  	_ =	swait.ge [sflag:s13], $0x2000  }
0x32: {  	[sflag:s13] =	ssyncset.done $0x0  }
0x33: {  	s7 =	simm.s32 $0x200;
	[sflag:s13] =	ssyncadd.s32 $0xFFFFE000  }
0x34: {  	[tilespmem:s16], [sflag:$0x1] =	stream.indirect.gather [hbm4b:s6+s15], $0x80, s7, s15, $0xb8;
	[tilespmem:$0x1E000] =	vst v63  }
0x35: {  	_ =	swait.ge [sflag:s24], $0x2000  }
0x36: {  	[sflag:s24] =	ssyncset.done $0x0  }
0x37: {  	s10 =	simm.s32 $0x1080;
	[sflag:s24] =	ssyncadd.s32 $0xFFFFE000  }
0x38: {  	[spmem:s2] =	stream.indirect.scatter.add.f32 [tilespmem:s18], [sflag:$0x5], $0x80, s10, s15, $0xb8;
	[tilespmem:$0x1E000] =	vst v63  }
0x39: {  	_ =	swait.ge [sflag:s13], $0x2000  }
0x3a: {  	[sflag:s13] =	ssyncset.done $0x0  }
0x3b: {  	s7 =	simm.s32 $0x280;
	[sflag:s13] =	ssyncadd.s32 $0xFFFFE000  }
0x3c: {  	[tilespmem:s18], [sflag:$0x2] =	stream.indirect.gather [hbm4b:s6+s15], $0x80, s7, s15, $0xb8;
	[tilespmem:$0x1E000] =	vst v63  }
0x3d: {  	_ =	swait.ge [sflag:s25], $0x2000  }
0x3e: {  	[sflag:s25] =	ssyncset.done $0x0  }
0x3f: {  	s10 =	simm.s32 $0x1100;
	[sflag:s25] =	ssyncadd.s32 $0xFFFFE000  }
0x40: {  	[spmem:s2] =	stream.indirect.scatter.add.f32 [tilespmem:s20], [sflag:$0x5], $0x80, s10, s15, $0xb8;
	[tilespmem:$0x1E000] =	vst v63  }
0x41: {  	_ =	swait.ge [sflag:s13], $0x2000  }
0x42: {  	[sflag:s13] =	ssyncset.done $0x0  }
0x43: {  	s7 =	simm.s32 $0x300;
	[sflag:s13] =	ssyncadd.s32 $0xFFFFE000  }
0x44: {  	[tilespmem:s20], [sflag:$0x3] =	stream.indirect.gather [hbm4b:s6+s15], $0x80, s7, s15, $0xb8;
	[tilespmem:$0x1E000] =	vst v63  }
0x45: {  	_ =	swait.ge [sflag:s26], $0x2000  }
0x46: {  	[sflag:s26] =	ssyncset.done $0x0  }
0x47: {  	s10 =	simm.s32 $0x1180;
	[sflag:s26] =	ssyncadd.s32 $0xFFFFE000  }
0x48: {  	[spmem:s2] =	stream.indirect.scatter.add.f32 [tilespmem:s22], [sflag:$0x5], $0x80, s10, s15, $0xb8;
	[tilespmem:$0x1E000] =	vst v63  }
0x49: {  	_ =	swait.ge [sflag:s13], $0x2000  }
0x4a: {  	[sflag:s13] =	ssyncset.done $0x0  }
0x4b: {  	s3 =	simm.s32 $0x800;
	s7 =	simm.s32 $0x380;
	[sflag:s13] =	ssyncadd.s32 $0xFFFFE000  }
.LBB2_3:
0x4c: {  	[tilespmem:s22], [sflag:$0x4] =	stream.indirect.gather [hbm4b:s6+s15], $0x80, s7, s15, $0xb8;
	[tilespmem:$0x1E000] =	vst v63  }
0x4d: {  	s7 =	smov.u32 s3  }
0x4e: {  	p0 =	sne.s32 s3, $0x3000;
	s3 =	sadd.s32 $0x800, s3;
	_ =	swait.ge [sflag:s23], $0x2000  }
0x4f: {  	s7 =	sshra.s32 s7, $0x2;
	[sflag:s23] =	ssyncset.done $0x0  }
0x50: {  	s10 =	sadd.s32 $0x1000, s7;
	[sflag:s23] =	ssyncadd.s32 $0xFFFFE000  }
0x51: {  	[spmem:s2] =	stream.indirect.scatter.add.f32 [tilespmem:s16], [sflag:$0x5], $0x80, s10, s15, $0xb8;
	[tilespmem:$0x1E000] =	vst v63  }
0x52: {  	_ =	swait.ge [sflag:s13], $0x2000  }
0x53: {  	[sflag:s13] =	ssyncset.done $0x0  }
0x54: {  	s10 =	sadd.s32 $0x200, s7;
	[sflag:s13] =	ssyncadd.s32 $0xFFFFE000  }
0x55: {  	[tilespmem:s16], [sflag:$0x1] =	stream.indirect.gather [hbm4b:s6+s15], $0x80, s10, s15, $0xb8;
	[tilespmem:$0x1E000] =	vst v63  }
0x56: {  	_ =	swait.ge [sflag:s24], $0x2000  }
0x57: {  	[sflag:s24] =	ssyncset.done $0x0  }
0x58: {  	s10 =	sadd.s32 $0x1080, s7;
	[sflag:s24] =	ssyncadd.s32 $0xFFFFE000  }
0x59: {  	[spmem:s2] =	stream.indirect.scatter.add.f32 [tilespmem:s18], [sflag:$0x5], $0x80, s10, s15, $0xb8;
	[tilespmem:$0x1E000] =	vst v63  }
0x5a: {  	_ =	swait.ge [sflag:s13], $0x2000  }
0x5b: {  	[sflag:s13] =	ssyncset.done $0x0  }
0x5c: {  	s10 =	sadd.s32 $0x280, s7;
	[sflag:s13] =	ssyncadd.s32 $0xFFFFE000  }
0x5d: {  	[tilespmem:s18], [sflag:$0x2] =	stream.indirect.gather [hbm4b:s6+s15], $0x80, s10, s15, $0xb8;
	[tilespmem:$0x1E000] =	vst v63  }
0x5e: {  	_ =	swait.ge [sflag:s25], $0x2000  }
0x5f: {  	[sflag:s25] =	ssyncset.done $0x0  }
0x60: {  	s10 =	sadd.s32 $0x1100, s7;
	[sflag:s25] =	ssyncadd.s32 $0xFFFFE000  }
0x61: {  	[spmem:s2] =	stream.indirect.scatter.add.f32 [tilespmem:s20], [sflag:$0x5], $0x80, s10, s15, $0xb8;
	[tilespmem:$0x1E000] =	vst v63  }
0x62: {  	_ =	swait.ge [sflag:s13], $0x2000  }
0x63: {  	[sflag:s13] =	ssyncset.done $0x0  }
0x64: {  	s10 =	sadd.s32 $0x300, s7;
	[sflag:s13] =	ssyncadd.s32 $0xFFFFE000  }
0x65: {  	[tilespmem:s20], [sflag:$0x3] =	stream.indirect.gather [hbm4b:s6+s15], $0x80, s10, s15, $0xb8;
	[tilespmem:$0x1E000] =	vst v63  }
0x66: {  	_ =	swait.ge [sflag:s26], $0x2000  }
0x67: {  	[sflag:s26] =	ssyncset.done $0x0  }
.Ltmp0:
0x68: {  	s10 =	sadd.s32 $0x1180, s7;
	[sflag:s26] =	ssyncadd.s32 $0xFFFFE000;
	(pc) =	sbr.rel @p0 .LBB2_3-.Ltmp0, $4  }
0x69: {  	[spmem:s2] =	stream.indirect.scatter.add.f32 [tilespmem:s22], [sflag:$0x5], $0x80, s10, s15, $0xb8;
	[tilespmem:$0x1E000] =	vst v63  }
0x6a: {  	_ =	swait.ge [sflag:s13], $0x2000  }
0x6b: {  	[sflag:s13] =	ssyncset.done $0x0  }
0x6c: {  	s7 =	sadd.s32 $0x380, s7;
	[sflag:s13] =	ssyncadd.s32 $0xFFFFE000  }
0x6d: {  	[tilespmem:s22], [sflag:$0x4] =	stream.indirect.gather [hbm4b:s6+s15], $0x80, s7, s15, $0xb8;
	[tilespmem:$0x1E000] =	vst v63  }
0x6e: {  	_ =	swait.ge [sflag:s23], $0x2000  }
0x6f: {  	[sflag:s23] =	ssyncset.done $0x0  }
0x70: {  	[sflag:s23] =	ssyncadd.s32 $0xFFFFE000  }
0x71: {  	[spmem:s2] =	stream.indirect.scatter.add.f32 [tilespmem:s16], [sflag:$0x5], $0x80, s28, s15, $0xb8;
	[tilespmem:$0x1E000] =	vst v63  }
0x72: {  	_ =	swait.ge [sflag:s13], $0x2000  }
0x73: {  	[sflag:s13] =	ssyncset.done $0x0  }
0x74: {  	[sflag:s13] =	ssyncadd.s32 $0xFFFFE000  }
0x75: {  	_ =	swait.ge [sflag:s24], $0x2000  }
0x76: {  	[sflag:s24] =	ssyncset.done $0x0  }
0x77: {  	[sflag:s24] =	ssyncadd.s32 $0xFFFFE000  }
0x78: {  	[spmem:s2] =	stream.indirect.scatter.add.f32 [tilespmem:s18], [sflag:$0x5], $0x80, s29, s15, $0xb8;
	[tilespmem:$0x1E000] =	vst v63  }
0x79: {  	_ =	swait.ge [sflag:s13], $0x2000  }
0x7a: {  	[sflag:s13] =	ssyncset.done $0x0  }
0x7b: {  	[sflag:s13] =	ssyncadd.s32 $0xFFFFE000  }
0x7c: {  	_ =	swait.ge [sflag:s25], $0x2000  }
0x7d: {  	[sflag:s25] =	ssyncset.done $0x0  }
0x7e: {  	[sflag:s25] =	ssyncadd.s32 $0xFFFFE000  }
0x7f: {  	[spmem:s2] =	stream.indirect.scatter.add.f32 [tilespmem:s20], [sflag:$0x5], $0x80, s30, s15, $0xb8;
	[tilespmem:$0x1E000] =	vst v63  }
0x80: {  	_ =	swait.ge [sflag:s13], $0x2000  }
0x81: {  	[sflag:s13] =	ssyncset.done $0x0  }
0x82: {  	[sflag:s13] =	ssyncadd.s32 $0xFFFFE000  }
0x83: {  	s0 =	sadd.s32 $0x1, s0;
	_ =	swait.ge [sflag:s26], $0x2000  }
0x84: {  	p0 =	sne.s32 s0, $0x5;
	[sflag:s26] =	ssyncset.done $0x0  }
.Ltmp1:
0x85: {  	[sflag:s26] =	ssyncadd.s32 $0xFFFFE000;
	(pc) =	sbr.rel @p0 .LBB2_2-.Ltmp1, $4  }
0x86: {  	[spmem:s2] =	stream.indirect.scatter.add.f32 [tilespmem:s22], [sflag:$0x5], $0x80, s31, s15, $0xb8;
	[tilespmem:$0x1E000] =	vst v63  }
0x87: {  	_ =	swait.ge [sflag:s13], $0x2000  }
0x88: {  	[sflag:s13] =	ssyncset.done $0x0  }
0x89: {  	[sflag:s13] =	ssyncadd.s32 $0xFFFFE000  }
0x8a: {  	s4 =	sadd.s32 $0x1, s4  }
0x8b: {  	[bflag:$0x0] =	sbarrier.arrive $0xFFFF;
	p0 =	sne.s32 s4, s11  }
.Ltmp2:
0x8c: {  	s0 =	rddreg [dreg:$0x5];
	(pc) =	sbr.rel @p0 .LBB2_1-.Ltmp2, $4  }
0x8d: {  	[hbm:s0], [sflag:s8] =	dma.local [spmem:s12], $0x2800  }
0x8e: {  	_ =	swait.ge [sflag:s13], $0x2800  }
0x8f: {  	[sflag:s13] =	ssyncset.done $0x0  }
0x90: {  	[sflag:s13] =	ssyncadd.s32 $0xFFFFD800  }
0x91: {  	_ =	sfence.sel $0x180000  }
0x92: {  	[bflag:$0x0] =	sbarrier.arrive $0xFFFF  }
0x93: {  	_ =	strace $0x9000004D  }
0x94: {  	s0 =	stileid.u32;
	[bflag:$0x2] =	sbarrier.arrive $0xFFFF  }
0x95: {  	p0 =	sne.s32 s0, $0x0;
	s0 =	rddreg [dreg:$0x3]  }
0x96: {  	s0 =	sadd.s32 @!p0 $0x100000, s0  }
0x97: {  	[sflag:s0] =	ssyncadd.tile.s32 @!p0 $0x1;
	_ =	shalt  }
.Lfunc_end2:
_tile_overlayer_lowered:
.L_overlay_start_2:
0x98: {  	(tag) =	ssettag $0x2  }
0x99: {  	s0 =	rddreg [dreg:$0x0];
	s2 =	stileid.u32  }
0x9a: {  	s1 =	rddreg [dreg:$0x1];
	p0 =	sne.s32 s2, $0x0  }
0x9b: {  	s3 =	rddreg [dreg:$0x2];
	[bflag:$0x3] =	sbarrier.arrive $0xFFFF;
	s2 =	simm.s32 @!p0 $0x1C05  }
0x9c: {  	[timem:s3], [sflag:s2] =	dma.local @!p0 [hbm:s0], s1  }
0x9d: {  	s0 =	simm.s32 @!p0 $0x5  }
0x9e: {  	_ =	swait.ge @!p0 [sflag:s0], s1  }
0x9f: {  	s1 =	ssub.s32 @!p0 $0x0, s1;
	[sflag:s0] =	ssyncset.done @!p0 $0x0  }
0xa0: {  	[sflag:s0] =	ssyncadd.s32 @!p0 s1  }
0xa1: {  	[bflag:$0x3] =	sbarrier.arrive $0xFFFF  }
0xa2: {  	_ =	shalt  }

// kernel: kernel.8.cloned.1.call-start
scs
__scs_entry_jumppad:
0x0: {  	(pc) =	sbr.rel $0x88, $3  }
0x1: {  	(tag) =	ssettag $0x0;
	lr =	simm.s32 $0x1  }
0x2: {  	[smem:$0x3F9B] =	sst lr;
	_ =	strace $0xD0000000  }
0x3: {  	_ = 	snop  }
0x4: {  	_ = 	snop  }
0x5: {  	_ = 	snop  }
0x6: {  	_ = 	snop  }
0x7: {  	_ = 	snop  }
__scs_overlays_trampoline_lowered:
0x8: {  	[smem:$0x3FAA] =	sst s0  }
0x9: {  	[smem:$0x3FAB] =	sst s1  }
0xa: {  	[smem:$0x3FAC] =	sst s2  }
0xb: {  	[smem:$0x3FAD] =	sst s3  }
0xc: {  	[smem:$0x3FAE] =	sst s4  }
0xd: {  	[smem:$0x3FAF] =	sst s5  }
0xe: {  	[smem:$0x3FB0] =	sst s6  }
0xf: {  	[smem:$0x3FB1] =	sst s7  }
0x10: {  	[smem:$0x3FB2] =	sst s8  }
0x11: {  	[smem:$0x3FB3] =	sst s9;
	s0 =	simm.s32 @!p0 $0x0  }
0x12: {  	s1 =	sld [smem:$0x3F99];
	s0 =	simm.s32 @p0 $0x1  }
0x13: {  	[smem:$0x3FB4] =	sst s0;
	s0 =	simm.s32 @!p1 $0x0  }
0x14: {  	s2 =	sld [smem:$0x3F98];
	s0 =	simm.s32 @p1 $0x1  }
0x15: {  	[smem:$0x3FB5] =	sst s0;
	s0 =	simm.s32 @!p2 $0x0  }
0x16: {  	s3 =	sld [smem:$0x3FDB];
	s0 =	simm.s32 @p2 $0x1  }
0x17: {  	s4 =	simm.s32 $0x1BF5;
	[smem:$0x3FB7] =	sst s0  }
0x18: {  	s0 =	sld [smem:$0x3F9A];
	_ =	swait.ge [sflag:s4], $0x0  }
0x19: {  	s7 =	sld [smem:$0x3F9B]  }
0x1a: {  	s8 =	sadd.s32 $0xFFFFE003, lr  }
0x1b: {  	s9 =	sadd.s32 $0xFFFFFEF7, lr;
	s5 =	simm.s32 $0xFFFFFFFF;
	p2 =	slt.u32 s8, $0xFFFFF086  }
0x1c: {  	p1 =	slt.u32 s9, $0xF7A;
	s5 =	simm.s32 @!p2 $0x0  }
0x1d: {  	s5 =	simm.s32 @p1 $0x1;
	p0 =	seq.s32 s7, s2  }
0x1e: {  	s7 =	smul.u32 @!p0 $0xF7A, s2;
	p2 =	seq.s32 @!p0 s5, $0x0  }
0x1f: {  	s9 =	smul.u32 $0xF7A, s1;
	s8 =	simm.s32 @!p0 $0x1BF5;
	p2 =	por !p2, p0  }
0x20: {  	[sflag:s8] =	ssyncset.s32 @!p0 $0xFFFFF086;
	s6 =	sadd.s32 @!p0 s3, s7;
	s7 =	simm.s32 @!p0 $0x108  }
0x21: {  	s3 =	sadd.s32 s3, s9;
	s6 =	sadd.s32 @!p0 $0x88, s6;
	s7 =	simm.s32 @p2 $0x1082  }
0x22: {  	[simem:s7], [sflag:s8] =	dma.local @!p0 [hbm:s6], $0xF7A  }
0x23: {  	s9 =	sor.u32 $0xD0000000, s2;
	s6 =	simm.s32 $0x108;
	_ =	swait.ge @!p0 [sflag:s8], $0x0  }
0x24: {  	s3 =	sadd.s32 $0x88, s3;
	s6 =	simm.s32 @!p1 $0x1082;
	[sflag:s4] =	ssyncset.s32 $0xFFFFF086  }
0x25: {  	[simem:s6], [sflag:s4] =	dma.local [hbm:s3], $0xF7A  }
0x26: {  	[smem:$0x3F9B] =	sst s1;
	(tag) =	ssettag s2;
	_ =	strace s9  }
0x27: {  	s1 =	sld [smem:$0x3FAB]  }
0x28: {  	s2 =	sld [smem:$0x3FAC]  }
0x29: {  	s4 =	sld [smem:$0x3FAE]  }
0x2a: {  	p0 =	seq.s32 s5, $0x0;
	s5 =	sld [smem:$0x3FAF]  }
0x2b: {  	s6 =	sld [smem:$0x3FB0]  }
0x2c: {  	s7 =	sld [smem:$0x3FB1]  }
0x2d: {  	s3 =	simm.s32 $0x108;
	s8 =	sld [smem:$0x3FB2]  }
0x2e: {  	s3 =	simm.s32 @!p0 $0x1082;
	s9 =	sld [smem:$0x3FB3]  }
0x2f: {  	lr =	sadd.s32 s0, s3;
	s0 =	sld [smem:$0x3FAA]  }
0x30: {  	s3 =	sld [smem:$0x3FAD]  }
0x31: {  	[smem:$0x3FB6] =	sst s10  }
0x32: {  	s10 =	sld [smem:$0x3FB4];
	_ =	sdelay $0x3  }
0x33: {  	p0 =	seq.s32 s10, $0x1;
	s10 =	sld [smem:$0x3FB6];
	_ =	sdelay $0x3  }
0x34: {  	[smem:$0x3FB6] =	sst s10  }
0x35: {  	s10 =	sld [smem:$0x3FB5];
	_ =	sdelay $0x3  }
0x36: {  	p1 =	seq.s32 s10, $0x1;
	s10 =	sld [smem:$0x3FB6];
	_ =	sdelay $0x3  }
0x37: {  	[smem:$0x3FB6] =	sst s10  }
0x38: {  	s10 =	sld [smem:$0x3FB7]  }
0x39: {  	_ = 	snop;
	(pc) =	sbr.ind lr, $3  }
0x3a: {  	_ = 	snop  }
0x3b: {  	_ = 	snop  }
0x3c: {  	p2 =	seq.s32 s10, $0x1;
	s10 =	sld [smem:$0x3FB6]  }
0x3d: {  	_ =	shalt  }
0x3e: {  	_ =	shalt  }
0x3f: {  	_ =	shalt  }
0x40: {  	_ =	shalt  }
0x41: {  	_ =	shalt  }
0x42: {  	_ =	shalt  }
0x43: {  	_ =	shalt  }
0x44: {  	_ =	shalt  }
0x45: {  	_ =	shalt  }
0x46: {  	_ =	shalt  }
0x47: {  	_ =	shalt  }
0x48: {  	_ =	shalt  }
0x49: {  	_ =	shalt  }
0x4a: {  	_ =	shalt  }
0x4b: {  	_ =	shalt  }
0x4c: {  	_ =	shalt  }
0x4d: {  	_ =	shalt  }
0x4e: {  	_ =	shalt  }
0x4f: {  	_ =	shalt  }
0x50: {  	_ =	shalt  }
0x51: {  	_ =	shalt  }
0x52: {  	_ =	shalt  }
0x53: {  	_ =	shalt  }
0x54: {  	_ =	shalt  }
0x55: {  	_ =	shalt  }
0x56: {  	_ =	shalt  }
0x57: {  	_ =	shalt  }
0x58: {  	_ =	shalt  }
0x59: {  	_ =	shalt  }
0x5a: {  	_ =	shalt  }
0x5b: {  	_ =	shalt  }
0x5c: {  	_ =	shalt  }
0x5d: {  	_ =	shalt  }
0x5e: {  	_ =	shalt  }
0x5f: {  	_ =	shalt  }
0x60: {  	_ =	shalt  }
0x61: {  	_ =	shalt  }
0x62: {  	_ =	shalt  }
0x63: {  	_ =	shalt  }
0x64: {  	_ =	shalt  }
0x65: {  	_ =	shalt  }
0x66: {  	_ =	shalt  }
0x67: {  	_ =	shalt  }
0x68: {  	_ =	shalt  }
0x69: {  	_ =	shalt  }
0x6a: {  	_ =	shalt  }
0x6b: {  	_ =	shalt  }
0x6c: {  	_ =	shalt  }
0x6d: {  	_ =	shalt  }
0x6e: {  	_ =	shalt  }
0x6f: {  	_ =	shalt  }
0x70: {  	_ =	shalt  }
0x71: {  	_ =	shalt  }
0x72: {  	_ =	shalt  }
0x73: {  	_ =	shalt  }
0x74: {  	_ =	shalt  }
0x75: {  	_ =	shalt  }
0x76: {  	_ =	shalt  }
0x77: {  	_ =	shalt  }
0x78: {  	_ =	shalt  }
0x79: {  	_ =	shalt  }
0x7a: {  	_ =	shalt  }
0x7b: {  	_ =	shalt  }
0x7c: {  	_ =	shalt  }
0x7d: {  	_ =	shalt  }
0x7e: {  	_ =	shalt  }
0x7f: {  	_ =	shalt  }
0x80: {  	_ =	shalt  }
0x81: {  	_ =	shalt  }
0x82: {  	_ =	shalt  }
0x83: {  	_ =	shalt  }
0x84: {  	_ =	shalt  }
0x85: {  	_ =	shalt  }
0x86: {  	_ =	shalt  }
0x87: {  	_ =	shalt  }
.Lfunc_end0:
.L_simem_size_0:
called_computation_lowered:
.L_overlay_start_0:
0x88: {  	s2 =	sld [smem:$0x3FD9]  }
0x89: {  	s3 =	sld [smem:$0x3FFE];
	_ =	sdelay $0x1  }
0x8a: {  	s1 =	srdreg.scid  }
0x8b: {  	s0 =	sand.u32 $0x1, s1  }
0x8c: {  	s16 =	sshll.u32 s0, $0xA;
	s2 =	sadd.s32 s3, s2  }
0x8d: {  	s2 =	sadd.s32 s2, s16  }
0x8e: {  	[smem:$0x3FC2] =	sst s2  }
0x8f: {  	_ = 	snop  }
0x90: {  	(tm) =	ssettm $0x1  }
0x91: {  	s17 =	sld [smem:$0x3FFB];
	_ =	sdelay $0x3  }
0x92: {  	_ =	strace s17  }
0x93: {  	s2 =	sld [smem:$0x3FFC];
	_ =	sdelay $0x3  }
0x94: {  	_ =	strace s2  }
0x95: {  	s2 =	sld [smem:$0x3FFD];
	_ =	sdelay $0x3  }
0x96: {  	_ =	strace s2  }
0x97: {  	_ =	strace $0x8FFFFFFF  }
0x98: {  	s18 =	sld [smem:$0x3FDB];
	_ =	sdelay $0x1  }
0x99: {  	s19 =	simm.s32 $_scs_section_size  }
0x9a: {  	s4 =	simm.s32 $_size__tile_overlayer_lowered;
	s5 =	simm.s32 $_tile_overlayer_lowered  }
0x9b: {  	s22 =	simm.s32 $0x1BFF;
	s21 =	sshll.u32 s5, $0x1;
	s2 =	sadd.s32 s19, s18  }
0x9c: {  	s6 =	simm.s32 $0x0;
	s20 =	sshll.u32 s4, $0x1;
	s4 =	sadd.s32 s21, s2  }
0x9d: {  	[timem:s6], [sflag:s22] =	dma.local [hbm:s4], s20  }
0x9e: {  	_ =	swait.ge [sflag:s22], s20  }
0x9f: {  	s3 =	ssub.s32 $0x0, s20;
	[sflag:s22] =	ssyncset.done $0x0  }
0xa0: {  	[sflag:s22] =	ssyncadd.s32 s3;
	_ =	sdelay $0x1  }
0xa1: {  	s23 =	simm.s32 $0x1B8B  }
0xa2: {  	_ =	swait.ge [sflag:s23], $0x1  }
0xa3: {  	[sflag:s23] =	ssyncset.done $0x0  }
0xa4: {  	s25 =	simm.s32 $0x1B8E;
	s24 =	sld [smem:$0x3FFE];
	[sflag:s23] =	ssyncadd.s32 $0xFFFFFFFF  }
0xa5: {  	s26 =	simm.s32 $execute0_lowered;
	[smem:$0x3FD2] =	sst s25  }
0xa6: {  	s4 =	sshll.u32 s26, $0x1;
	_ =	strace $0x80000046;
	[dreg:$0x1] =	wrdreg $0xFFFFFFFF  }
0xa7: {  	s28 =	simm.s32 $_size_execute0_lowered;
	s2 =	sadd.s32 s2, s4;
	[dreg:$0x0] =	wrdreg $0x0  }
0xa8: {  	s4 =	sshll.u32 s28, $0x1;
	[dreg:$0x2] =	wrdreg s2  }
0xa9: {  	[dreg:$0x3] =	wrdreg s4  }
0xaa: {  	[dreg:$0x4] =	wrdreg $0xC0  }
0xab: {  	_ =	task [dreg:s6], $0x5FFFF  }
0xac: {  	[dreg:$0x1] =	wrdreg $0xFFFFFFFF  }
0xad: {  	[dreg:$0x0] =	wrdreg $0x60  }
0xae: {  	[dreg:$0x2] =	wrdreg s24  }
0xaf: {  	[dreg:$0x3] =	wrdreg $0x78000  }
0xb0: {  	[dreg:$0x4] =	wrdreg $0x9  }
0xb1: {  	_ =	task.clear_ibuf [dreg:s6], $0x5FFFF;
	_ =	strace $0x90000046  }
0xb2: {  	s29 =	simm.s32 $0x9;
	_ =	strace $0x80000048  }
0xb3: {  	_ =	swait.ge [sflag:s29], $0x1  }
0xb4: {  	[sflag:s29] =	ssyncadd.s32 $0xFFFFFFFF  }
0xb5: {  	_ =	strace $0x90000048  }
0xb6: {  	_ =	sfence  }
0xb7: {  	s30 =	sld [smem:$0x0];
	_ =	sdelay $0x2  }
0xb8: {  	s31 =	sshll.u32 s1, $0xD;
	s1 =	sshrl.u32 s1, $0x2  }
0xb9: {  	s3 =	sand.u32 $0x4000, s31;
	s1 =	sadd.s32 s1, s30  }
0xba: {  	s0 =	sor.u32 s3, s0;
	s1 =	sshll.u32 s1, $0x11  }
0xbb: {  	s0 =	sor.u32 s1, s0  }
0xbc: {  	s0 =	sadd.s32 $0x8F2B, s0  }
0xbd: {  	[sflag:s0] =	ssyncadd.remote.s32 $0x1  }
0xbe: {  	_ =	sfence.sel $0xFFFF  }
0xbf: {  	[dreg:$0x0] =	wrdreg $0xFFFFFFFF;
	(pc) =	sbr.abs _section_cstart, $3  }
0xc0: {  	[dreg:$0x1] =	wrdreg $0xFFFFFFFF  }
0xc1: {  	_ =	task.clear_ibuf [dreg:s6], $0x2FFFF;
	_ =	strace $0x9FFFFFFF  }
0xc2: {  	(tm) =	ssettm $0x7FFFFFFF  }
0xc3: {  	_ =	shalt  }
tec
execute0_lowered:
.L_overlay_start_1:
0x0: {  	(tag) =	ssettag $0x1  }
0x1: {  	s0 =	srdreg.scid;
	s4 =	rddreg [dreg:$0x0]  }
0x2: {  	s5 =	rddreg [dreg:$0x1];
	s2 =	simm.s32 $0x0;
	s11 =	simm.s32 $0x400  }
0x3: {  	s12 =	simm.s32 $0x1400;
	s13 =	simm.s32 $0x14000;
	s14 =	simm.s32 $0x5000  }
0x4: {  	s16 =	simm.s32 $0x5400;
	s17 =	simm.s32 $0x5800;
	s18 =	simm.s32 $0x5C00  }
0x5: {  	s19 =	simm.s32 $0x6000;
	s20 =	simm.s32 $0x0;
	s3 =	sand.u32 $0x1, s0  }
0x6: {  	s0 =	stileid.u32;
	[smem:$0x7FF] =	sst s2;
	s1 =	sshll.u32 s3, $0x4  }
0x7: {  	s7 =	smul.u32 $0x500, s0;
	s8 =	sshll.u32 s3, $0x7;
	s26 =	sshrl.u32 s0, $0x3  }
0x8: {  	s3 =	ssub.s32 $0x2, s3;
	s9 =	smul.u32 $0x5000, s0;
	s29 =	sshll.u32 s0, $0x7  }
0x9: {  	s6 =	sor.u32 s0, s1;
	s1 =	rddreg [dreg:$0x2];
	_ =	strace $0x80000047  }
0xa: {  	s28 =	sshrl.u32 s3, $0x1;
	s31 =	sand.u32 $0x380, s29;
	s6 =	smul.u32 $0x500, s6  }
0xb: {  	s7 =	sor.u32 s8, s7;
	s8 =	smul.u32 $0x50000, s26;
	s10 =	ssub.s32 s3, s28  }
0xc: {  	s9 =	sshrl.u32 s9, $0x2;
	s7 =	sshrl.u32 s7, $0x3;
	s6 =	sadd.s32 s6, s4  }
0xd: {  	s7 =	sadd.s32 s7, s4;
	s30 =	sshrl.u32 s8, $0x2;
	s8 =	simm.s32 $0x1  }
0xe: {  	s4 =	sadd.s32 s30, s5;
	s3 =	sadd.s32 $0x2C00, s6;
	s5 =	sadd.s32 s9, s5  }
0xf: {  	s6 =	sadd.s32 $0xCC00, s7;
	s7 =	smax.u32 s10, $0x1;
	s9 =	simm.s32 $0x2800  }
0x10: {  	v0 =	vimm.f32 $0.0e+00;
	v1 =	vimm.f32 $1.000000000e+00;
	s10 =	simm.s32 $0x80;
	s4 =	sadd.s32 s31, s4;
	s15 =	sadd.s32 $0x20, s6  }
.LBB2_1:
0x11: {  	[tilespmem:s2], [sflag:$0x1] =	stream.linear.gather [hbm4b:s3+s2], $0x2800, $0x38;
	[tilespmem:$0xA000] =	vst v63  }
0x12: {  	_ =	swait.ge [sflag:s8], $0x2800  }
0x13: {  	[sflag:s8] =	ssyncset.done $0x0  }
0x14: {  	s21 =	simm.s32 $0x0;
	[sflag:s8] =	ssyncadd.s32 $0xFFFFD800  }
.LBB2_2:
0x15: {  	p0 =	sne.s32 s21, $0x9FC0  }
.Ltmp0:
0x16: {  	_ = 	snop;
	(pc) =	sbr.rel @p0 .LBB2_2-.Ltmp0, $3  }
0x17: {  	_ =	sdelay $0x1  }
0x18: {  	s22 =	sshra.s32 s21, $0x2  }
0x19: {  	s21 =	sadd.s32 $0x40, s21;
	[tilespmem:s22+$0x2800] =	vst v0  }
0x1a: {  	s21 =	simm.s32 $0x0  }
.LBB2_4:
0x1b: {  	s22 =	sshra.s32 s21, $0x2  }
0x1c: {  	v2 =	vld [tilespmem:s22+$0x0];
	_ =	sdelay $0x7  }
0x1d: {  	[tilespmem:v2+s9+$0x0] =	vst.idx.add.f32.msk $0xffff, v1  }
0x1e: {  	v2 =	vld [tilespmem:s22+$0x10];
	_ =	sdelay $0x7  }
0x1f: {  	[tilespmem:v2+s9+$0x0] =	vst.idx.add.f32.msk $0xffff, v1  }
0x20: {  	v2 =	vld [tilespmem:s22+$0x20];
	_ =	sdelay $0x7  }
0x21: {  	[tilespmem:v2+s9+$0x0] =	vst.idx.add.f32.msk $0xffff, v1  }
0x22: {  	v2 =	vld [tilespmem:s22+$0x30];
	_ =	sdelay $0x7  }
0x23: {  	[tilespmem:v2+s9+$0x0] =	vst.idx.add.f32.msk $0xffff, v1  }
0x24: {  	v2 =	vld [tilespmem:s22+$0x40];
	_ =	sdelay $0x7  }
0x25: {  	[tilespmem:v2+s9+$0x0] =	vst.idx.add.f32.msk $0xffff, v1  }
0x26: {  	v2 =	vld [tilespmem:s22+$0x50];
	_ =	sdelay $0x7  }
0x27: {  	[tilespmem:v2+s9+$0x0] =	vst.idx.add.f32.msk $0xffff, v1  }
0x28: {  	v2 =	vld [tilespmem:s22+$0x60];
	_ =	sdelay $0x7  }
0x29: {  	[tilespmem:v2+s9+$0x0] =	vst.idx.add.f32.msk $0xffff, v1  }
0x2a: {  	v2 =	vld [tilespmem:s22+$0x70];
	_ =	sdelay $0x2  }
0x2b: {  	p0 =	sne.s32 s21, $0x9E00  }
.Ltmp1:
0x2c: {  	_ = 	snop;
	(pc) =	sbr.rel @p0 .LBB2_4-.Ltmp1, $2  }
0x2d: {  	_ =	sdelay $0x2  }
0x2e: {  	s21 =	sadd.s32 $0x200, s21;
	[tilespmem:v2+s9+$0x0] =	vst.idx.add.f32.msk $0xffff, v1  }
0x2f: {  	[spmem:s4] =	stream.strided.scatter [tilespmem:s9], [sflag:$0x1], $0x2800, s11, s10, $0x38;
	[tilespmem:$0xA000] =	vst v63  }
0x30: {  	s21 =	simm.s32 $0x1  }
0x31: {  	_ =	swait.ge [sflag:s21], $0x2800  }
0x32: {  	[sflag:s21] =	ssyncset.done $0x0  }
0x33: {  	[sflag:s21] =	ssyncadd.s32 $0xFFFFD800  }
0x34: {  	[bflag:$0x0] =	sbarrier.arrive $0xFFFF  }
0x35: {  	[tilespmem:s14], [sflag:$0x1] =	stream.strided.gather [spmem:s5], $0x2800, s13, s12, $0x38;
	[tilespmem:$0xA000] =	vst v63  }
0x36: {  	_ =	swait.ge [sflag:s21], $0x2800  }
0x37: {  	[sflag:s21] =	ssyncset.done $0x0  }
0x38: {  	[sflag:s21] =	ssyncadd.s32 $0xFFFFD800  }
.LBB2_6:
0x39: {  	s22 =	sshrl.u32 s21, $0x3  }
0x3a: {  	s22 =	smul.u32 $0x5000, s22  }
0x3b: {  	s23 =	sshll.u32 s21, $0x7  }
0x3c: {  	s23 =	sand.u32 $0x380, s23;
	s22 =	sshra.s32 s22, $0x2  }
0x3d: {  	s30 =	simm.s32 $0x0;
	s22 =	sor.u32 s23, s22  }
0x3e: {  	s24 =	sand.u32 $0x1C00, s30;
	s22 =	sadd.s32 $0x5000, s22  }
0x3f: {  	s23 =	sand.u32 $0x70, s30;
	s25 =	sadd.s32 s24, s22  }
0x40: {  	s25 =	sadd.s32 s23, s25  }
0x41: {  	s23 =	sor.u32 s23, s24;
	v2 =	vld [tilespmem:s25+$0x0]  }
0x42: {  	v3 =	vld [tilespmem:s23+$0x5000];
	_ =	sdelay $0x3  }
0x43: {  	s24 =	simm.s32 $0x80  }
0x44: {  	s31 =	simm.s32 $0x10;
	s26 =	sand.u32 $0x1C00, s24;
	v2 =	vadd.f32 v2, v3  }
0x45: {  	s28 =	sand.u32 $0x70, s31;
	s25 =	simm.s32 $0x20;
	s29 =	sadd.s32 s26, s22  }
.LBB2_7:
0x46: {  	p0 =	sne.s32 s25, $0x270;
	s29 =	sadd.s32 s28, s29;
	[tilespmem:s23+$0x5000] =	vst v2  }
0x47: {  	s23 =	sor.u32 s28, s26;
	v2 =	vld [tilespmem:s29+$0x0]  }
0x48: {  	v3 =	vld [tilespmem:s23+$0x5000];
	_ =	sdelay $0x1  }
.Ltmp2:
0x49: {  	(pc) =	sbr.rel @p0 .LBB2_7-.Ltmp2, $4  }
0x4a: {  	_ = 	snop  }
0x4b: {  	s24 =	sadd.s32 $0x80, s24  }
0x4c: {  	s26 =	sand.u32 $0x1C00, s24;
	v2 =	vadd.f32 v2, v3  }
0x4d: {  	s28 =	sand.u32 $0x70, s25;
	s25 =	sadd.s32 $0x10, s25;
	s29 =	sadd.s32 s26, s22  }
0x4e: {  	s22 =	sadd.s32 s28, s29;
	[tilespmem:s23+$0x5000] =	vst v2  }
0x4f: {  	s31 =	sor.u32 s28, s26;
	v2 =	vld [tilespmem:s22+$0x0]  }
0x50: {  	v3 =	vld [tilespmem:s31+$0x5000]  }
0x51: {  	s21 =	sadd.s32 $0x1, s21  }
0x52: {  	p0 =	sne.s32 s21, $0x10  }
.Ltmp3:
0x53: {  	_ = 	snop;
	(pc) =	sbr.rel @p0 .LBB2_6-.Ltmp3, $3  }
0x54: {  	_ = 	snop  }
0x55: {  	v2 =	vadd.f32 v2, v3;
	_ =	sdelay $0x1  }
0x56: {  	[tilespmem:s31+$0x5000] =	vst v2  }
0x57: {  	[hbm4b:s6+s2] =	stream.linear.scatter [tilespmem:s14], [sflag:$0x1], $0x80, $0x38;
	[tilespmem:$0xA000] =	vst v63  }
0x58: {  	_ = 	snop  }
0x59: {  	[hbm4b:s15+s2] =	stream.linear.scatter [tilespmem:s16], [sflag:$0x1], $0x80, $0x38;
	[tilespmem:$0xA000] =	vst v63  }
0x5a: {  	s21 =	sadd.s32 $0x40, s6;
	s20 =	sadd.s32 $0x1, s20  }
0x5b: {  	[hbm4b:s21+s2] =	stream.linear.scatter [tilespmem:s17], [sflag:$0x1], $0x80, $0x38;
	[tilespmem:$0xA000] =	vst v63  }
0x5c: {  	s30 =	sadd.s32 $0x60, s6;
	p0 =	sne.s32 s20, s7  }
0x5d: {  	[hbm4b:s30+s2] =	stream.linear.scatter [tilespmem:s18], [sflag:$0x1], $0x80, $0x38;
	[tilespmem:$0xA000] =	vst v63  }
.Ltmp4:
0x5e: {  	s31 =	sadd.s32 $0x80, s6;
	(pc) =	sbr.rel @p0 .LBB2_1-.Ltmp4, $4  }
0x5f: {  	[hbm4b:s31+s2] =	stream.linear.scatter [tilespmem:s19], [sflag:$0x1], $0x80, $0x38;
	[tilespmem:$0xA000] =	vst v63  }
0x60: {  	_ =	swait.ge [sflag:s8], $0x280  }
0x61: {  	[sflag:s8] =	ssyncset.done $0x0  }
0x62: {  	[sflag:s8] =	ssyncadd.s32 $0xFFFFFD80  }
0x63: {  	_ =	sfence.sel $0x180000  }
0x64: {  	[bflag:$0x0] =	sbarrier.arrive $0xFFFF  }
0x65: {  	p0 =	sne.s32 s0, $0x0;
	_ =	strace $0x90000047  }
0x66: {  	s0 =	sadd.s32 @!p0 $0x100000, s1;
	[bflag:$0x2] =	sbarrier.arrive $0xFFFF  }
0x67: {  	[sflag:s0] =	ssyncadd.tile.s32 @!p0 $0x1;
	_ =	shalt  }
.Lfunc_end2:
_tile_overlayer_lowered:
.L_overlay_start_2:
0x68: {  	(tag) =	ssettag $0x2  }
0x69: {  	s0 =	rddreg [dreg:$0x0];
	s2 =	stileid.u32  }
0x6a: {  	s1 =	rddreg [dreg:$0x1];
	p0 =	sne.s32 s2, $0x0  }
0x6b: {  	s3 =	rddreg [dreg:$0x2];
	[bflag:$0x3] =	sbarrier.arrive $0xFFFF;
	s2 =	simm.s32 @!p0 $0x1C01  }
0x6c: {  	[timem:s3], [sflag:s2] =	dma.local @!p0 [hbm:s0], s1  }
0x6d: {  	s0 =	simm.s32 @!p0 $0x1  }
0x6e: {  	_ =	swait.ge @!p0 [sflag:s0], s1  }
0x6f: {  	s1 =	ssub.s32 @!p0 $0x0, s1;
	[sflag:s0] =	ssyncset.done @!p0 $0x0  }
0x70: {  	[sflag:s0] =	ssyncadd.s32 @!p0 s1  }
0x71: {  	[bflag:$0x3] =	sbarrier.arrive $0xFFFF  }
0x72: {  	_ =	shalt  }

</sc_bundles>
